<compile_context>
chip_gen: v7x
topology: tpu7x:2x2x1
jax: 0.10.2.dev20260603
libtpu: 0.0.44.dev20260713+nightly
codegen_flags: <defaults>
</compile_context>

<pallas_src>
import dataclasses

import jax
import jax.numpy as jnp
from jax import lax
from jax.experimental import pallas as pl
from jax.experimental.pallas import tpu as pltpu
from jax.experimental.pallas import tpu_sc as plsc

N = 10000
D = 128
HD = D // 2
E = 320000
NPAD = 10240
NC, NS, L = 2, 16, 16
EPT = E // NS
WIN = 80
NWIN = EPT // WIN
RPT = NPAD // NS
BLK = 1024
NBLK = NPAD // BLK


def _proj_body(x_ref, w_ref, asrc_ref, adst_ref, xw_ref, av_ref, bv_ref):
    xw = jnp.dot(x_ref[...], w_ref[...], preferred_element_type=jnp.float32)
    xw_ref[...] = xw
    av_ref[...] = jnp.sum(xw * asrc_ref[...], axis=1, keepdims=True)
    bv_ref[...] = jnp.sum(xw * adst_ref[...], axis=1, keepdims=True)


def _project(x_pad, W, asrc_row, adst_row):
    return pl.pallas_call(
        _proj_body,
        grid=(NBLK,),
        in_specs=[
            pl.BlockSpec((BLK, D), lambda i: (i, 0)),
            pl.BlockSpec((D, D), lambda i: (0, 0)),
            pl.BlockSpec((1, D), lambda i: (0, 0)),
            pl.BlockSpec((1, D), lambda i: (0, 0)),
        ],
        out_specs=[
            pl.BlockSpec((BLK, D), lambda i: (i, 0)),
            pl.BlockSpec((BLK, 1), lambda i: (i, 0)),
            pl.BlockSpec((BLK, 1), lambda i: (i, 0)),
        ],
        out_shape=[
            jax.ShapeDtypeStruct((NPAD, D), jnp.float32),
            jax.ShapeDtypeStruct((NPAD, 1), jnp.float32),
            jax.ShapeDtypeStruct((NPAD, 1), jnp.float32),
        ],
    )(x_pad, W, asrc_row, adst_row)


def _edge_body(xwh_hbm, av_hbm, bv_hbm, src_hbm, dst_hbm,
               acc_hbm, den_hbm,
               asrc_t, adst_t, src_t, dst_t, rows0_v, rows1_v, e0_v, e1_v,
               zden_v, acc_sh, den_sh,
               semg0, semg1, sems0, sems1, semd0, semd1):
    cid = lax.axis_index("c")
    sid = lax.axis_index("s")
    rowbuf = (rows0_v, rows1_v)
    ebuf = (e0_v, e1_v)
    sem_g = (semg0, semg1)
    sem_s = (sems0, sems1)
    sem_d = (semd0, semd1)

    pltpu.sync_copy(av_hbm, asrc_t)
    pltpu.sync_copy(bv_hbm, adst_t)
    pltpu.sync_copy(src_hbm.at[sid], src_t)
    pltpu.sync_copy(dst_hbm.at[sid], dst_t)

    @pl.loop(0, WIN)
    def _(r):
        for k in range(HD // L):
            rows0_v[r, pl.ds(k * L, L)] = jnp.zeros((L,), jnp.float32)

    @pl.loop(0, RPT, step=L)
    def _(i):
        zden_v[pl.ds(i, L)] = jnp.zeros((L,), jnp.float32)

    for k in range(RPT // WIN):
        pltpu.sync_copy(rows0_v, acc_sh.at[pl.ds(sid * RPT + k * WIN, WIN)])
    pltpu.sync_copy(zden_v, den_sh.at[pl.ds(sid * RPT, RPT)])
    plsc.subcore_barrier()

    pltpu.async_copy(xwh_hbm.at[cid].at[src_t.at[0]], rows0_v, semg0)

    @pl.loop(0, NWIN, step=2)
    def _(j0):
        for b in range(2):
            j = j0 + b
            rows_v = rowbuf[b]
            e_v = ebuf[b]
            ob = 1 - b

            @pl.when(cid == 0)
            def _():
                @pl.when(j >= 2)
                def _():
                    pltpu.make_async_copy(
                        e_v, den_sh.at[dst_t.at[j]], sem_d[b]).wait()

            for g in range(WIN // L):
                sl = pl.ds(g * L, L)
                s_idx = src_t[j, sl]
                d_idx = dst_t[j, sl]
                a_s = plsc.load_gather(asrc_t, [s_idx])
                a_d = plsc.load_gather(adst_t, [d_idx])
                al = a_s + a_d
                al = jnp.maximum(al, 0.2 * al)
                e_v[sl] = jnp.exp(al)

            @pl.when(j + 1 < NWIN)
            def _():
                @pl.when(j >= 1)
                def _():
                    pltpu.make_async_copy(
                        rowbuf[ob], acc_sh.at[dst_t.at[j]], sem_s[ob]).wait()
                pltpu.async_copy(
                    xwh_hbm.at[cid].at[src_t.at[j + 1]], rowbuf[ob], sem_g[ob])

            pltpu.make_async_copy(
                xwh_hbm.at[cid].at[src_t.at[j]], rows_v, sem_g[b]).wait()

            @pl.loop(0, WIN)
            def _(r):
                bc = plsc.load_gather(e_v, [jnp.full((L,), r, jnp.int32)])
                for k in range(HD // L):
                    sl = pl.ds(k * L, L)
                    rows_v[r, sl] = rows_v[r, sl] * bc

            pltpu.async_copy(rows_v, acc_sh.at[dst_t.at[j]], sem_s[b], add=True)

            @pl.when(cid == 0)
            def _():
                pltpu.async_copy(e_v, den_sh.at[dst_t.at[j]], sem_d[b], add=True)

    for b in range(2):
        pltpu.make_async_copy(
            rowbuf[b], acc_sh.at[dst_t.at[NWIN - 2 + b]], sem_s[b]).wait()

        @pl.when(cid == 0)
        def _():
            pltpu.make_async_copy(
                ebuf[b], den_sh.at[dst_t.at[NWIN - 2 + b]], sem_d[b]).wait()

    plsc.subcore_barrier()

    pltpu.sync_copy(acc_sh.at[pl.ds(sid * RPT, RPT)],
                    acc_hbm.at[cid].at[pl.ds(sid * RPT, RPT)])

    @pl.when(cid == 0)
    def _():
        pltpu.sync_copy(den_sh.at[pl.ds(sid * RPT, RPT)],
                        den_hbm.at[pl.ds(sid * RPT, RPT)])


def _edge_pass(xw_halves, av, bv, src3d, dst3d):
    mesh = plsc.VectorSubcoreMesh(core_axis_name="c", subcore_axis_name="s")
    cp = pltpu.CompilerParams()
    if "needs_layout_passes" in pltpu.CompilerParams.__dataclass_fields__:
        cp = dataclasses.replace(cp, needs_layout_passes=False)
    if "use_tc_tiling_on_sc" in pltpu.CompilerParams.__dataclass_fields__:
        cp = dataclasses.replace(cp, use_tc_tiling_on_sc=False)
    f = pl.kernel(
        _edge_body,
        mesh=mesh,
        compiler_params=cp,
        out_type=[
            jax.ShapeDtypeStruct((NC, NPAD, HD), jnp.float32),
            jax.ShapeDtypeStruct((NPAD,), jnp.float32),
        ],
        scratch_types=[
            pltpu.VMEM((NPAD,), jnp.float32),
            pltpu.VMEM((NPAD,), jnp.float32),
            pltpu.VMEM((NWIN, WIN), jnp.int32),
            pltpu.VMEM((NWIN, WIN), jnp.int32),
            pltpu.VMEM((WIN, HD), jnp.float32),
            pltpu.VMEM((WIN, HD), jnp.float32),
            pltpu.VMEM((WIN,), jnp.float32),
            pltpu.VMEM((WIN,), jnp.float32),
            pltpu.VMEM((RPT,), jnp.float32),
            pltpu.VMEM_SHARED((NPAD, HD), jnp.float32),
            pltpu.VMEM_SHARED((NPAD,), jnp.float32),
            pltpu.SemaphoreType.DMA,
            pltpu.SemaphoreType.DMA,
            pltpu.SemaphoreType.DMA,
            pltpu.SemaphoreType.DMA,
            pltpu.SemaphoreType.DMA,
            pltpu.SemaphoreType.DMA,
        ],
    )
    return f(xw_halves, av, bv, src3d, dst3d)


def _final_body(a0_ref, a1_ref, d_ref, bias_ref, o_ref):
    dd = d_ref[...] + 1e-16
    lo = a0_ref[0] / dd + bias_ref[:, :HD]
    hi = a1_ref[0] / dd + bias_ref[:, HD:]
    v = jnp.concatenate([lo, hi], axis=1)
    o_ref[...] = jnp.where(v > 0, v, jnp.exp(jnp.minimum(v, 0.0)) - 1.0)


def _finalize(acc, den, bias_row):
    return pl.pallas_call(
        _final_body,
        grid=(NBLK,),
        in_specs=[
            pl.BlockSpec((1, BLK, HD), lambda i: (0, i, 0)),
            pl.BlockSpec((1, BLK, HD), lambda i: (1, i, 0)),
            pl.BlockSpec((BLK, 1), lambda i: (i, 0)),
            pl.BlockSpec((1, D), lambda i: (0, 0)),
        ],
        out_specs=pl.BlockSpec((BLK, D), lambda i: (i, 0)),
        out_shape=jax.ShapeDtypeStruct((NPAD, D), jnp.float32),
    )(acc, acc, den[:, None], bias_row)


def kernel(x, edge_index, W, att_src, att_dst, bias):
    x_pad = jnp.pad(x, ((0, NPAD - N), (0, 0)))
    asrc_row = att_src.reshape(1, D)
    adst_row = att_dst.reshape(1, D)
    xw, av, bv = _project(x_pad, W, asrc_row, adst_row)
    xw_halves = jnp.stack([xw[:, :HD], xw[:, HD:]])
    src3d = edge_index[0].reshape(NS, NWIN, WIN)
    dst3d = edge_index[1].reshape(NS, NWIN, WIN)
    acc, den = _edge_pass(xw_halves, av.reshape(NPAD), bv.reshape(NPAD),
                          src3d, dst3d)
    out = _finalize(acc, den, bias.reshape(1, D))
    return out[:N]

# --- scband reference (transcript-rebuilt; emitter-appended) ---
"""Pipeline reference for scband-gatneighbor-layer-36644660969855 (READ-ONLY COPY).

The authoritative reference and input builder live on the scoring server;
editing this copy changes nothing except your own understanding.
"""

import jax, jax.numpy as jnp
import numpy as np

N = 10000
E = 320000
IN_DIM = 128
OUT_DIM = 128
HEADS = 1


def setup_inputs(seed: int = 0) -> dict:
    key = jax.random.key(seed)
    k1, k2, k3, k4, k5 = jax.random.split(key, 5)
    x = jax.random.normal(k1, (N, IN_DIM), dtype=jnp.float32)
    edge_index = jax.random.randint(k2, (2, E), 0, N, dtype=jnp.int32)
    W = jax.random.normal(k3, (IN_DIM, HEADS * OUT_DIM), dtype=jnp.float32) / jnp.sqrt(IN_DIM)
    att_src = jax.random.normal(k4, (1, HEADS, OUT_DIM), dtype=jnp.float32) * 0.1
    att_dst = jax.random.normal(k5, (1, HEADS, OUT_DIM), dtype=jnp.float32) * 0.1
    bias = jnp.zeros((OUT_DIM,), dtype=jnp.float32)
    return {"x": x, "edge_index": edge_index, "W": W, "att_src": att_src, "att_dst": att_dst, "bias": bias}


def reference(x, edge_index, W, att_src, att_dst, bias):
    # PyG GATConv, heads=HEADS, concat=False, add_self_loops=False, dropout=0
    src = edge_index[0]
    dst = edge_index[1]
    n = x.shape[0]
    xw = (x @ W).reshape(n, HEADS, OUT_DIM)                      # [N, H, D]
    a_src = jnp.sum(xw * att_src, axis=-1)                       # [N, H]
    a_dst = jnp.sum(xw * att_dst, axis=-1)                       # [N, H]
    alpha = a_src[src] + a_dst[dst]                              # [E, H]
    alpha = jax.nn.leaky_relu(alpha, negative_slope=0.2)
    # softmax over incoming edges per destination node
    m = jax.ops.segment_max(alpha, dst, num_segments=n)
    m = jnp.where(jnp.isfinite(m), m, 0.0)
    e = jnp.exp(alpha - m[dst])                                  # [E, H]
    denom = jax.ops.segment_sum(e, dst, num_segments=n)          # [N, H]
    coef = e / (denom[dst] + 1e-16)                              # [E, H]
    msgs = coef[:, :, None] * xw[src]                            # [E, H, D]
    out = jax.ops.segment_sum(msgs, dst, num_segments=n)         # [N, H, D]
    out = jnp.mean(out, axis=1) + bias                           # concat=False -> mean over heads
    return jax.nn.elu(out)

if __name__ == "__main__":
    import jax
    _d = setup_inputs()
    print(jax.jit(kernel)(*tuple(_d.values())))

</pallas_src>

<mosaic_0001>
#map = affine_map<(d0, d1) -> (0, 0, 0)>
#map1 = affine_map<(d0, d1) -> (0)>
module attributes {stable_mosaic.version = 14 : i64} {
  func.func @_edge_body(%arg0: i32, %arg1: i32, %arg2: memref<2x10240x64xf32, #tpu.memory_space<hbm>>, %arg3: memref<10240xf32, #tpu.memory_space<hbm>>, %arg4: memref<10240xf32, #tpu.memory_space<hbm>>, %arg5: memref<16x250x80xi32, #tpu.memory_space<hbm>>, %arg6: memref<16x250x80xi32, #tpu.memory_space<hbm>>, %arg7: memref<2x10240x64xf32, #tpu.memory_space<hbm>>, %arg8: memref<10240xf32, #tpu.memory_space<hbm>>, %arg9: memref<10240xf32, #tpu.memory_space<vmem>>, %arg10: memref<10240xf32, #tpu.memory_space<vmem>>, %arg11: memref<250x80xi32, #tpu.memory_space<vmem>>, %arg12: memref<250x80xi32, #tpu.memory_space<vmem>>, %arg13: memref<80x64xf32, #tpu.memory_space<vmem>>, %arg14: memref<80x64xf32, #tpu.memory_space<vmem>>, %arg15: memref<80xf32, #tpu.memory_space<vmem>>, %arg16: memref<80xf32, #tpu.memory_space<vmem>>, %arg17: memref<640xf32, #tpu.memory_space<vmem>>, %arg18: memref<10240x64xf32, #tpu.memory_space<vmem_shared>>, %arg19: memref<10240xf32, #tpu.memory_space<vmem_shared>>, %arg20: memref<!tpu.dma_semaphore, #tpu.memory_space<semaphore_mem>>, %arg21: memref<!tpu.dma_semaphore, #tpu.memory_space<semaphore_mem>>, %arg22: memref<!tpu.dma_semaphore, #tpu.memory_space<semaphore_mem>>, %arg23: memref<!tpu.dma_semaphore, #tpu.memory_space<semaphore_mem>>, %arg24: memref<!tpu.dma_semaphore, #tpu.memory_space<semaphore_mem>>, %arg25: memref<!tpu.dma_semaphore, #tpu.memory_space<semaphore_mem>>) attributes {dimension_semantics = [#tpu.dimension_semantics<core_parallel>, #tpu.dimension_semantics<subcore_parallel>], iteration_bounds = array<i64: 2, 16>, scalar_prefetch = 0 : i64, scratch_operands = 17 : i64, tpu.core_type = #tpu.core_type<sc_vector_subcore>, window_params = [{transform_indices = #map}, {transform_indices = #map1}, {transform_indices = #map1}, {transform_indices = #map}, {transform_indices = #map}, {transform_indices = #map}, {transform_indices = #map1}]} {
    "tpu.region"() ({
      %run_scoped3A = tpu.sem_alloc : memref<!tpu.dma_semaphore, #tpu.memory_space<semaphore_mem>>
      tpu.enqueue_dma source(%arg3 : memref<10240xf32, #tpu.memory_space<hbm>>) target(%arg9 : memref<10240xf32, #tpu.memory_space<vmem>>) target_semaphore(%run_scoped3A : memref<!tpu.dma_semaphore, #tpu.memory_space<semaphore_mem>>)
      tpu.wait_dma2 semaphore(%run_scoped3A : memref<!tpu.dma_semaphore, #tpu.memory_space<semaphore_mem>>) src(%arg3 : memref<10240xf32, #tpu.memory_space<hbm>>) dst(%arg9 : memref<10240xf32, #tpu.memory_space<vmem>>)
      tpu.yield
    }) : () -> ()
    "tpu.region"() ({
      %run_scoped3A = tpu.sem_alloc : memref<!tpu.dma_semaphore, #tpu.memory_space<semaphore_mem>>
      tpu.enqueue_dma source(%arg4 : memref<10240xf32, #tpu.memory_space<hbm>>) target(%arg10 : memref<10240xf32, #tpu.memory_space<vmem>>) target_semaphore(%run_scoped3A : memref<!tpu.dma_semaphore, #tpu.memory_space<semaphore_mem>>)
      tpu.wait_dma2 semaphore(%run_scoped3A : memref<!tpu.dma_semaphore, #tpu.memory_space<semaphore_mem>>) src(%arg4 : memref<10240xf32, #tpu.memory_space<hbm>>) dst(%arg10 : memref<10240xf32, #tpu.memory_space<vmem>>)
      tpu.yield
    }) : () -> ()
    "tpu.region"() ({
      %run_scoped3A = tpu.sem_alloc : memref<!tpu.dma_semaphore, #tpu.memory_space<semaphore_mem>>
      %dma_start3A_86 = arith.constant 0 : i32
      %dma_start3A_87 = arith.constant 0 : i32
      %dma_start3A_88 = tpu.memref_slice %arg5[%arg1, %dma_start3A_86, %dma_start3A_87] : memref<16x250x80xi32, #tpu.memory_space<hbm>> -> memref<1x250x80xi32, #tpu.memory_space<hbm>>
      %dma_start3A_89 = tpu.memref_squeeze %dma_start3A_88 : memref<1x250x80xi32, #tpu.memory_space<hbm>> -> memref<250x80xi32, #tpu.memory_space<hbm>>
      %dma_start3A_90 = arith.constant 0 : i32
      %dma_start3A_91 = arith.constant 0 : i32
      %dma_start3A_92 = tpu.memref_slice %arg5[%arg1, %dma_start3A_90, %dma_start3A_91] : memref<16x250x80xi32, #tpu.memory_space<hbm>> -> memref<1x250x80xi32, #tpu.memory_space<hbm>>
      %dma_start3A_93 = tpu.memref_squeeze %dma_start3A_92 : memref<1x250x80xi32, #tpu.memory_space<hbm>> -> memref<250x80xi32, #tpu.memory_space<hbm>>
      tpu.enqueue_dma source(%dma_start3A_93 : memref<250x80xi32, #tpu.memory_space<hbm>>) target(%arg11 : memref<250x80xi32, #tpu.memory_space<vmem>>) target_semaphore(%run_scoped3A : memref<!tpu.dma_semaphore, #tpu.memory_space<semaphore_mem>>)
      %dma_wait3A_94 = arith.constant 0 : i32
      %dma_wait3A_95 = arith.constant 0 : i32
      %dma_wait3A_96 = tpu.memref_slice %arg5[%arg1, %dma_wait3A_94, %dma_wait3A_95] : memref<16x250x80xi32, #tpu.memory_space<hbm>> -> memref<1x250x80xi32, #tpu.memory_space<hbm>>
      %dma_wait3A_97 = tpu.memref_squeeze %dma_wait3A_96 : memref<1x250x80xi32, #tpu.memory_space<hbm>> -> memref<250x80xi32, #tpu.memory_space<hbm>>
      %dma_wait3A_98 = arith.constant 0 : i32
      %dma_wait3A_99 = arith.constant 0 : i32
      %dma_wait3A_100 = tpu.memref_slice %arg5[%arg1, %dma_wait3A_98, %dma_wait3A_99] : memref<16x250x80xi32, #tpu.memory_space<hbm>> -> memref<1x250x80xi32, #tpu.memory_space<hbm>>
      %dma_wait3A_101 = tpu.memref_squeeze %dma_wait3A_100 : memref<1x250x80xi32, #tpu.memory_space<hbm>> -> memref<250x80xi32, #tpu.memory_space<hbm>>
      tpu.wait_dma2 semaphore(%run_scoped3A : memref<!tpu.dma_semaphore, #tpu.memory_space<semaphore_mem>>) src(%dma_wait3A_101 : memref<250x80xi32, #tpu.memory_space<hbm>>) dst(%arg11 : memref<250x80xi32, #tpu.memory_space<vmem>>)
      tpu.yield
    }) : () -> ()
    "tpu.region"() ({
      %run_scoped3A = tpu.sem_alloc : memref<!tpu.dma_semaphore, #tpu.memory_space<semaphore_mem>>
      %dma_start3A_86 = arith.constant 0 : i32
      %dma_start3A_87 = arith.constant 0 : i32
      %dma_start3A_88 = tpu.memref_slice %arg6[%arg1, %dma_start3A_86, %dma_start3A_87] : memref<16x250x80xi32, #tpu.memory_space<hbm>> -> memref<1x250x80xi32, #tpu.memory_space<hbm>>
      %dma_start3A_89 = tpu.memref_squeeze %dma_start3A_88 : memref<1x250x80xi32, #tpu.memory_space<hbm>> -> memref<250x80xi32, #tpu.memory_space<hbm>>
      %dma_start3A_90 = arith.constant 0 : i32
      %dma_start3A_91 = arith.constant 0 : i32
      %dma_start3A_92 = tpu.memref_slice %arg6[%arg1, %dma_start3A_90, %dma_start3A_91] : memref<16x250x80xi32, #tpu.memory_space<hbm>> -> memref<1x250x80xi32, #tpu.memory_space<hbm>>
      %dma_start3A_93 = tpu.memref_squeeze %dma_start3A_92 : memref<1x250x80xi32, #tpu.memory_space<hbm>> -> memref<250x80xi32, #tpu.memory_space<hbm>>
      tpu.enqueue_dma source(%dma_start3A_93 : memref<250x80xi32, #tpu.memory_space<hbm>>) target(%arg12 : memref<250x80xi32, #tpu.memory_space<vmem>>) target_semaphore(%run_scoped3A : memref<!tpu.dma_semaphore, #tpu.memory_space<semaphore_mem>>)
      %dma_wait3A_94 = arith.constant 0 : i32
      %dma_wait3A_95 = arith.constant 0 : i32
      %dma_wait3A_96 = tpu.memref_slice %arg6[%arg1, %dma_wait3A_94, %dma_wait3A_95] : memref<16x250x80xi32, #tpu.memory_space<hbm>> -> memref<1x250x80xi32, #tpu.memory_space<hbm>>
      %dma_wait3A_97 = tpu.memref_squeeze %dma_wait3A_96 : memref<1x250x80xi32, #tpu.memory_space<hbm>> -> memref<250x80xi32, #tpu.memory_space<hbm>>
      %dma_wait3A_98 = arith.constant 0 : i32
      %dma_wait3A_99 = arith.constant 0 : i32
      %dma_wait3A_100 = tpu.memref_slice %arg6[%arg1, %dma_wait3A_98, %dma_wait3A_99] : memref<16x250x80xi32, #tpu.memory_space<hbm>> -> memref<1x250x80xi32, #tpu.memory_space<hbm>>
      %dma_wait3A_101 = tpu.memref_squeeze %dma_wait3A_100 : memref<1x250x80xi32, #tpu.memory_space<hbm>> -> memref<250x80xi32, #tpu.memory_space<hbm>>
      tpu.wait_dma2 semaphore(%run_scoped3A : memref<!tpu.dma_semaphore, #tpu.memory_space<semaphore_mem>>) src(%dma_wait3A_101 : memref<250x80xi32, #tpu.memory_space<hbm>>) dst(%arg12 : memref<250x80xi32, #tpu.memory_space<vmem>>)
      tpu.yield
    }) : () -> ()
    %scan3A = arith.constant 0 : i32
    %scan3A_0 = arith.constant 80 : i32
    %scan3A_1 = arith.addi %scan3A, %scan3A_0 : i32
    %scan3A_2 = arith.constant 1 : i32
    scf.for %scan3A_86 = %scan3A to %scan3A_1 step %scan3A_2  : i32 {
      %mul3A_87 = arith.constant 1 : i32
      %mul3A_88 = arith.muli %scan3A_86, %mul3A_87 : i32
      %add3A_89 = arith.constant 0 : i32
      %add3A_90 = arith.addi %add3A_89, %mul3A_88 : i32
      %broadcast_in_dim3A = arith.constant 0.000000e+00 : f32
      %broadcast_in_dim3A_91 = vector.broadcast %broadcast_in_dim3A : f32 to vector<16xf32>
      %swap3A = arith.index_cast %add3A_90 : i32 to index
      %swap3A_92 = arith.constant 0 : index
      %swap3A_93 = tpu.vector_load %arg13[%swap3A, %swap3A_92] {strides = array<i32>} : memref<80x64xf32, #tpu.memory_space<vmem>>, vector<16xf32>,
      tpu.vector_store %arg13[%swap3A, %swap3A_92], %broadcast_in_dim3A_91 {strides = array<i32>} : memref<80x64xf32, #tpu.memory_space<vmem>>, vector<16xf32>,
      %broadcast_in_dim3A_94 = arith.constant 0.000000e+00 : f32
      %broadcast_in_dim3A_95 = vector.broadcast %broadcast_in_dim3A_94 : f32 to vector<16xf32>
      %swap3A_96 = arith.index_cast %add3A_90 : i32 to index
      %swap3A_97 = arith.constant 16 : index
      %swap3A_98 = tpu.vector_load %arg13[%swap3A_96, %swap3A_97] {strides = array<i32>} : memref<80x64xf32, #tpu.memory_space<vmem>>, vector<16xf32>,
      tpu.vector_store %arg13[%swap3A_96, %swap3A_97], %broadcast_in_dim3A_95 {strides = array<i32>} : memref<80x64xf32, #tpu.memory_space<vmem>>, vector<16xf32>,
      %broadcast_in_dim3A_99 = arith.constant 0.000000e+00 : f32
      %broadcast_in_dim3A_100 = vector.broadcast %broadcast_in_dim3A_99 : f32 to vector<16xf32>
      %swap3A_101 = arith.index_cast %add3A_90 : i32 to index
      %swap3A_102 = arith.constant 32 : index
      %swap3A_103 = tpu.vector_load %arg13[%swap3A_101, %swap3A_102] {strides = array<i32>} : memref<80x64xf32, #tpu.memory_space<vmem>>, vector<16xf32>,
      tpu.vector_store %arg13[%swap3A_101, %swap3A_102], %broadcast_in_dim3A_100 {strides = array<i32>} : memref<80x64xf32, #tpu.memory_space<vmem>>, vector<16xf32>,
      %broadcast_in_dim3A_104 = arith.constant 0.000000e+00 : f32
      %broadcast_in_dim3A_105 = vector.broadcast %broadcast_in_dim3A_104 : f32 to vector<16xf32>
      %swap3A_106 = arith.index_cast %add3A_90 : i32 to index
      %swap3A_107 = arith.constant 48 : index
      %swap3A_108 = tpu.vector_load %arg13[%swap3A_106, %swap3A_107] {strides = array<i32>} : memref<80x64xf32, #tpu.memory_space<vmem>>, vector<16xf32>,
      tpu.vector_store %arg13[%swap3A_106, %swap3A_107], %broadcast_in_dim3A_105 {strides = array<i32>} : memref<80x64xf32, #tpu.memory_space<vmem>>, vector<16xf32>,
    }
    %scan3A_3 = arith.constant 80 : i32
    %scan3A_4 = arith.constant 0 : i32
    %scan3A_5 = arith.constant 40 : i32
    %scan3A_6 = arith.addi %scan3A_4, %scan3A_5 : i32
    %scan3A_7 = arith.constant 1 : i32
    scf.for %scan3A_86 = %scan3A_4 to %scan3A_6 step %scan3A_7  : i32 {
      %mul3A_87 = arith.constant 16 : i32
      %mul3A_88 = arith.muli %scan3A_86, %mul3A_87 : i32
      %add3A_89 = arith.constant 0 : i32
      %add3A_90 = arith.addi %add3A_89, %mul3A_88 : i32
      %broadcast_in_dim3A = arith.constant 0.000000e+00 : f32
      %broadcast_in_dim3A_91 = vector.broadcast %broadcast_in_dim3A : f32 to vector<16xf32>
      %swap3A = arith.index_cast %add3A_90 : i32 to index
      %swap3A_92 = tpu.vector_load %arg17[%swap3A] {strides = array<i32>} : memref<640xf32, #tpu.memory_space<vmem>>, vector<16xf32>,
      tpu.vector_store %arg17[%swap3A], %broadcast_in_dim3A_91 {strides = array<i32>} : memref<640xf32, #tpu.memory_space<vmem>>, vector<16xf32>,
    }
    %scan3A_8 = arith.constant 40 : i32
    %mul3A = arith.constant 640 : i32
    %mul3A_9 = arith.muli %arg1, %mul3A : i32
    %add3A = arith.constant 0 : i32
    %add3A_10 = arith.addi %mul3A_9, %add3A : i32
    "tpu.region"() ({
      %run_scoped3A = tpu.sem_alloc : memref<!tpu.dma_semaphore, #tpu.memory_space<semaphore_mem>>
      %dma_start3A_86 = arith.constant 0 : i32
      %dma_start3A_87 = tpu.memref_slice %arg18[%add3A_10, %dma_start3A_86] : memref<10240x64xf32, #tpu.memory_space<vmem_shared>> -> memref<80x64xf32, #tpu.memory_space<vmem_shared>>
      %dma_start3A_88 = arith.constant 0 : i32
      %dma_start3A_89 = tpu.memref_slice %arg18[%add3A_10, %dma_start3A_88] : memref<10240x64xf32, #tpu.memory_space<vmem_shared>> -> memref<80x64xf32, #tpu.memory_space<vmem_shared>>
      tpu.enqueue_dma source(%arg13 : memref<80x64xf32, #tpu.memory_space<vmem>>) target(%dma_start3A_89 : memref<80x64xf32, #tpu.memory_space<vmem_shared>>) target_semaphore(%run_scoped3A : memref<!tpu.dma_semaphore, #tpu.memory_space<semaphore_mem>>)
      %dma_wait3A_90 = arith.constant 0 : i32
      %dma_wait3A_91 = tpu.memref_slice %arg18[%add3A_10, %dma_wait3A_90] : memref<10240x64xf32, #tpu.memory_space<vmem_shared>> -> memref<80x64xf32, #tpu.memory_space<vmem_shared>>
      %dma_wait3A_92 = arith.constant 0 : i32
      %dma_wait3A_93 = tpu.memref_slice %arg18[%add3A_10, %dma_wait3A_92] : memref<10240x64xf32, #tpu.memory_space<vmem_shared>> -> memref<80x64xf32, #tpu.memory_space<vmem_shared>>
      tpu.wait_dma2 semaphore(%run_scoped3A : memref<!tpu.dma_semaphore, #tpu.memory_space<semaphore_mem>>) src(%arg13 : memref<80x64xf32, #tpu.memory_space<vmem>>) dst(%dma_wait3A_93 : memref<80x64xf32, #tpu.memory_space<vmem_shared>>)
      tpu.yield
    }) : () -> ()
    %mul3A_11 = arith.constant 640 : i32
    %mul3A_12 = arith.muli %arg1, %mul3A_11 : i32
    %add3A_13 = arith.constant 80 : i32
    %add3A_14 = arith.addi %mul3A_12, %add3A_13 : i32
    "tpu.region"() ({
      %run_scoped3A = tpu.sem_alloc : memref<!tpu.dma_semaphore, #tpu.memory_space<semaphore_mem>>
      %dma_start3A_86 = arith.constant 0 : i32
      %dma_start3A_87 = tpu.memref_slice %arg18[%add3A_14, %dma_start3A_86] : memref<10240x64xf32, #tpu.memory_space<vmem_shared>> -> memref<80x64xf32, #tpu.memory_space<vmem_shared>>
      %dma_start3A_88 = arith.constant 0 : i32
      %dma_start3A_89 = tpu.memref_slice %arg18[%add3A_14, %dma_start3A_88] : memref<10240x64xf32, #tpu.memory_space<vmem_shared>> -> memref<80x64xf32, #tpu.memory_space<vmem_shared>>
      tpu.enqueue_dma source(%arg13 : memref<80x64xf32, #tpu.memory_space<vmem>>) target(%dma_start3A_89 : memref<80x64xf32, #tpu.memory_space<vmem_shared>>) target_semaphore(%run_scoped3A : memref<!tpu.dma_semaphore, #tpu.memory_space<semaphore_mem>>)
      %dma_wait3A_90 = arith.constant 0 : i32
      %dma_wait3A_91 = tpu.memref_slice %arg18[%add3A_14, %dma_wait3A_90] : memref<10240x64xf32, #tpu.memory_space<vmem_shared>> -> memref<80x64xf32, #tpu.memory_space<vmem_shared>>
      %dma_wait3A_92 = arith.constant 0 : i32
      %dma_wait3A_93 = tpu.memref_slice %arg18[%add3A_14, %dma_wait3A_92] : memref<10240x64xf32, #tpu.memory_space<vmem_shared>> -> memref<80x64xf32, #tpu.memory_space<vmem_shared>>
      tpu.wait_dma2 semaphore(%run_scoped3A : memref<!tpu.dma_semaphore, #tpu.memory_space<semaphore_mem>>) src(%arg13 : memref<80x64xf32, #tpu.memory_space<vmem>>) dst(%dma_wait3A_93 : memref<80x64xf32, #tpu.memory_space<vmem_shared>>)
      tpu.yield
    }) : () -> ()
    %mul3A_15 = arith.constant 640 : i32
    %mul3A_16 = arith.muli %arg1, %mul3A_15 : i32
    %add3A_17 = arith.constant 160 : i32
    %add3A_18 = arith.addi %mul3A_16, %add3A_17 : i32
    "tpu.region"() ({
      %run_scoped3A = tpu.sem_alloc : memref<!tpu.dma_semaphore, #tpu.memory_space<semaphore_mem>>
      %dma_start3A_86 = arith.constant 0 : i32
      %dma_start3A_87 = tpu.memref_slice %arg18[%add3A_18, %dma_start3A_86] : memref<10240x64xf32, #tpu.memory_space<vmem_shared>> -> memref<80x64xf32, #tpu.memory_space<vmem_shared>>
      %dma_start3A_88 = arith.constant 0 : i32
      %dma_start3A_89 = tpu.memref_slice %arg18[%add3A_18, %dma_start3A_88] : memref<10240x64xf32, #tpu.memory_space<vmem_shared>> -> memref<80x64xf32, #tpu.memory_space<vmem_shared>>
      tpu.enqueue_dma source(%arg13 : memref<80x64xf32, #tpu.memory_space<vmem>>) target(%dma_start3A_89 : memref<80x64xf32, #tpu.memory_space<vmem_shared>>) target_semaphore(%run_scoped3A : memref<!tpu.dma_semaphore, #tpu.memory_space<semaphore_mem>>)
      %dma_wait3A_90 = arith.constant 0 : i32
      %dma_wait3A_91 = tpu.memref_slice %arg18[%add3A_18, %dma_wait3A_90] : memref<10240x64xf32, #tpu.memory_space<vmem_shared>> -> memref<80x64xf32, #tpu.memory_space<vmem_shared>>
      %dma_wait3A_92 = arith.constant 0 : i32
      %dma_wait3A_93 = tpu.memref_slice %arg18[%add3A_18, %dma_wait3A_92] : memref<10240x64xf32, #tpu.memory_space<vmem_shared>> -> memref<80x64xf32, #tpu.memory_space<vmem_shared>>
      tpu.wait_dma2 semaphore(%run_scoped3A : memref<!tpu.dma_semaphore, #tpu.memory_space<semaphore_mem>>) src(%arg13 : memref<80x64xf32, #tpu.memory_space<vmem>>) dst(%dma_wait3A_93 : memref<80x64xf32, #tpu.memory_space<vmem_shared>>)
      tpu.yield
    }) : () -> ()
    %mul3A_19 = arith.constant 640 : i32
    %mul3A_20 = arith.muli %arg1, %mul3A_19 : i32
    %add3A_21 = arith.constant 240 : i32
    %add3A_22 = arith.addi %mul3A_20, %add3A_21 : i32
    "tpu.region"() ({
      %run_scoped3A = tpu.sem_alloc : memref<!tpu.dma_semaphore, #tpu.memory_space<semaphore_mem>>
      %dma_start3A_86 = arith.constant 0 : i32
      %dma_start3A_87 = tpu.memref_slice %arg18[%add3A_22, %dma_start3A_86] : memref<10240x64xf32, #tpu.memory_space<vmem_shared>> -> memref<80x64xf32, #tpu.memory_space<vmem_shared>>
      %dma_start3A_88 = arith.constant 0 : i32
      %dma_start3A_89 = tpu.memref_slice %arg18[%add3A_22, %dma_start3A_88] : memref<10240x64xf32, #tpu.memory_space<vmem_shared>> -> memref<80x64xf32, #tpu.memory_space<vmem_shared>>
      tpu.enqueue_dma source(%arg13 : memref<80x64xf32, #tpu.memory_space<vmem>>) target(%dma_start3A_89 : memref<80x64xf32, #tpu.memory_space<vmem_shared>>) target_semaphore(%run_scoped3A : memref<!tpu.dma_semaphore, #tpu.memory_space<semaphore_mem>>)
      %dma_wait3A_90 = arith.constant 0 : i32
      %dma_wait3A_91 = tpu.memref_slice %arg18[%add3A_22, %dma_wait3A_90] : memref<10240x64xf32, #tpu.memory_space<vmem_shared>> -> memref<80x64xf32, #tpu.memory_space<vmem_shared>>
      %dma_wait3A_92 = arith.constant 0 : i32
      %dma_wait3A_93 = tpu.memref_slice %arg18[%add3A_22, %dma_wait3A_92] : memref<10240x64xf32, #tpu.memory_space<vmem_shared>> -> memref<80x64xf32, #tpu.memory_space<vmem_shared>>
      tpu.wait_dma2 semaphore(%run_scoped3A : memref<!tpu.dma_semaphore, #tpu.memory_space<semaphore_mem>>) src(%arg13 : memref<80x64xf32, #tpu.memory_space<vmem>>) dst(%dma_wait3A_93 : memref<80x64xf32, #tpu.memory_space<vmem_shared>>)
      tpu.yield
    }) : () -> ()
    %mul3A_23 = arith.constant 640 : i32
    %mul3A_24 = arith.muli %arg1, %mul3A_23 : i32
    %add3A_25 = arith.constant 320 : i32
    %add3A_26 = arith.addi %mul3A_24, %add3A_25 : i32
    "tpu.region"() ({
      %run_scoped3A = tpu.sem_alloc : memref<!tpu.dma_semaphore, #tpu.memory_space<semaphore_mem>>
      %dma_start3A_86 = arith.constant 0 : i32
      %dma_start3A_87 = tpu.memref_slice %arg18[%add3A_26, %dma_start3A_86] : memref<10240x64xf32, #tpu.memory_space<vmem_shared>> -> memref<80x64xf32, #tpu.memory_space<vmem_shared>>
      %dma_start3A_88 = arith.constant 0 : i32
      %dma_start3A_89 = tpu.memref_slice %arg18[%add3A_26, %dma_start3A_88] : memref<10240x64xf32, #tpu.memory_space<vmem_shared>> -> memref<80x64xf32, #tpu.memory_space<vmem_shared>>
      tpu.enqueue_dma source(%arg13 : memref<80x64xf32, #tpu.memory_space<vmem>>) target(%dma_start3A_89 : memref<80x64xf32, #tpu.memory_space<vmem_shared>>) target_semaphore(%run_scoped3A : memref<!tpu.dma_semaphore, #tpu.memory_space<semaphore_mem>>)
      %dma_wait3A_90 = arith.constant 0 : i32
      %dma_wait3A_91 = tpu.memref_slice %arg18[%add3A_26, %dma_wait3A_90] : memref<10240x64xf32, #tpu.memory_space<vmem_shared>> -> memref<80x64xf32, #tpu.memory_space<vmem_shared>>
      %dma_wait3A_92 = arith.constant 0 : i32
      %dma_wait3A_93 = tpu.memref_slice %arg18[%add3A_26, %dma_wait3A_92] : memref<10240x64xf32, #tpu.memory_space<vmem_shared>> -> memref<80x64xf32, #tpu.memory_space<vmem_shared>>
      tpu.wait_dma2 semaphore(%run_scoped3A : memref<!tpu.dma_semaphore, #tpu.memory_space<semaphore_mem>>) src(%arg13 : memref<80x64xf32, #tpu.memory_space<vmem>>) dst(%dma_wait3A_93 : memref<80x64xf32, #tpu.memory_space<vmem_shared>>)
      tpu.yield
    }) : () -> ()
    %mul3A_27 = arith.constant 640 : i32
    %mul3A_28 = arith.muli %arg1, %mul3A_27 : i32
    %add3A_29 = arith.constant 400 : i32
    %add3A_30 = arith.addi %mul3A_28, %add3A_29 : i32
    "tpu.region"() ({
      %run_scoped3A = tpu.sem_alloc : memref<!tpu.dma_semaphore, #tpu.memory_space<semaphore_mem>>
      %dma_start3A_86 = arith.constant 0 : i32
      %dma_start3A_87 = tpu.memref_slice %arg18[%add3A_30, %dma_start3A_86] : memref<10240x64xf32, #tpu.memory_space<vmem_shared>> -> memref<80x64xf32, #tpu.memory_space<vmem_shared>>
      %dma_start3A_88 = arith.constant 0 : i32
      %dma_start3A_89 = tpu.memref_slice %arg18[%add3A_30, %dma_start3A_88] : memref<10240x64xf32, #tpu.memory_space<vmem_shared>> -> memref<80x64xf32, #tpu.memory_space<vmem_shared>>
      tpu.enqueue_dma source(%arg13 : memref<80x64xf32, #tpu.memory_space<vmem>>) target(%dma_start3A_89 : memref<80x64xf32, #tpu.memory_space<vmem_shared>>) target_semaphore(%run_scoped3A : memref<!tpu.dma_semaphore, #tpu.memory_space<semaphore_mem>>)
      %dma_wait3A_90 = arith.constant 0 : i32
      %dma_wait3A_91 = tpu.memref_slice %arg18[%add3A_30, %dma_wait3A_90] : memref<10240x64xf32, #tpu.memory_space<vmem_shared>> -> memref<80x64xf32, #tpu.memory_space<vmem_shared>>
      %dma_wait3A_92 = arith.constant 0 : i32
      %dma_wait3A_93 = tpu.memref_slice %arg18[%add3A_30, %dma_wait3A_92] : memref<10240x64xf32, #tpu.memory_space<vmem_shared>> -> memref<80x64xf32, #tpu.memory_space<vmem_shared>>
      tpu.wait_dma2 semaphore(%run_scoped3A : memref<!tpu.dma_semaphore, #tpu.memory_space<semaphore_mem>>) src(%arg13 : memref<80x64xf32, #tpu.memory_space<vmem>>) dst(%dma_wait3A_93 : memref<80x64xf32, #tpu.memory_space<vmem_shared>>)
      tpu.yield
    }) : () -> ()
    %mul3A_31 = arith.constant 640 : i32
    %mul3A_32 = arith.muli %arg1, %mul3A_31 : i32
    %add3A_33 = arith.constant 480 : i32
    %add3A_34 = arith.addi %mul3A_32, %add3A_33 : i32
    "tpu.region"() ({
      %run_scoped3A = tpu.sem_alloc : memref<!tpu.dma_semaphore, #tpu.memory_space<semaphore_mem>>
      %dma_start3A_86 = arith.constant 0 : i32
      %dma_start3A_87 = tpu.memref_slice %arg18[%add3A_34, %dma_start3A_86] : memref<10240x64xf32, #tpu.memory_space<vmem_shared>> -> memref<80x64xf32, #tpu.memory_space<vmem_shared>>
      %dma_start3A_88 = arith.constant 0 : i32
      %dma_start3A_89 = tpu.memref_slice %arg18[%add3A_34, %dma_start3A_88] : memref<10240x64xf32, #tpu.memory_space<vmem_shared>> -> memref<80x64xf32, #tpu.memory_space<vmem_shared>>
      tpu.enqueue_dma source(%arg13 : memref<80x64xf32, #tpu.memory_space<vmem>>) target(%dma_start3A_89 : memref<80x64xf32, #tpu.memory_space<vmem_shared>>) target_semaphore(%run_scoped3A : memref<!tpu.dma_semaphore, #tpu.memory_space<semaphore_mem>>)
      %dma_wait3A_90 = arith.constant 0 : i32
      %dma_wait3A_91 = tpu.memref_slice %arg18[%add3A_34, %dma_wait3A_90] : memref<10240x64xf32, #tpu.memory_space<vmem_shared>> -> memref<80x64xf32, #tpu.memory_space<vmem_shared>>
      %dma_wait3A_92 = arith.constant 0 : i32
      %dma_wait3A_93 = tpu.memref_slice %arg18[%add3A_34, %dma_wait3A_92] : memref<10240x64xf32, #tpu.memory_space<vmem_shared>> -> memref<80x64xf32, #tpu.memory_space<vmem_shared>>
      tpu.wait_dma2 semaphore(%run_scoped3A : memref<!tpu.dma_semaphore, #tpu.memory_space<semaphore_mem>>) src(%arg13 : memref<80x64xf32, #tpu.memory_space<vmem>>) dst(%dma_wait3A_93 : memref<80x64xf32, #tpu.memory_space<vmem_shared>>)
      tpu.yield
    }) : () -> ()
    %mul3A_35 = arith.constant 640 : i32
    %mul3A_36 = arith.muli %arg1, %mul3A_35 : i32
    %add3A_37 = arith.constant 560 : i32
    %add3A_38 = arith.addi %mul3A_36, %add3A_37 : i32
    "tpu.region"() ({
      %run_scoped3A = tpu.sem_alloc : memref<!tpu.dma_semaphore, #tpu.memory_space<semaphore_mem>>
      %dma_start3A_86 = arith.constant 0 : i32
      %dma_start3A_87 = tpu.memref_slice %arg18[%add3A_38, %dma_start3A_86] : memref<10240x64xf32, #tpu.memory_space<vmem_shared>> -> memref<80x64xf32, #tpu.memory_space<vmem_shared>>
      %dma_start3A_88 = arith.constant 0 : i32
      %dma_start3A_89 = tpu.memref_slice %arg18[%add3A_38, %dma_start3A_88] : memref<10240x64xf32, #tpu.memory_space<vmem_shared>> -> memref<80x64xf32, #tpu.memory_space<vmem_shared>>
      tpu.enqueue_dma source(%arg13 : memref<80x64xf32, #tpu.memory_space<vmem>>) target(%dma_start3A_89 : memref<80x64xf32, #tpu.memory_space<vmem_shared>>) target_semaphore(%run_scoped3A : memref<!tpu.dma_semaphore, #tpu.memory_space<semaphore_mem>>)
      %dma_wait3A_90 = arith.constant 0 : i32
      %dma_wait3A_91 = tpu.memref_slice %arg18[%add3A_38, %dma_wait3A_90] : memref<10240x64xf32, #tpu.memory_space<vmem_shared>> -> memref<80x64xf32, #tpu.memory_space<vmem_shared>>
      %dma_wait3A_92 = arith.constant 0 : i32
      %dma_wait3A_93 = tpu.memref_slice %arg18[%add3A_38, %dma_wait3A_92] : memref<10240x64xf32, #tpu.memory_space<vmem_shared>> -> memref<80x64xf32, #tpu.memory_space<vmem_shared>>
      tpu.wait_dma2 semaphore(%run_scoped3A : memref<!tpu.dma_semaphore, #tpu.memory_space<semaphore_mem>>) src(%arg13 : memref<80x64xf32, #tpu.memory_space<vmem>>) dst(%dma_wait3A_93 : memref<80x64xf32, #tpu.memory_space<vmem_shared>>)
      tpu.yield
    }) : () -> ()
    %mul3A_39 = arith.constant 640 : i32
    %mul3A_40 = arith.muli %arg1, %mul3A_39 : i32
    "tpu.region"() ({
      %run_scoped3A = tpu.sem_alloc : memref<!tpu.dma_semaphore, #tpu.memory_space<semaphore_mem>>
      %dma_start3A_86 = tpu.memref_slice %arg19[%mul3A_40] : memref<10240xf32, #tpu.memory_space<vmem_shared>> -> memref<640xf32, #tpu.memory_space<vmem_shared>>
      %dma_start3A_87 = tpu.memref_slice %arg19[%mul3A_40] : memref<10240xf32, #tpu.memory_space<vmem_shared>> -> memref<640xf32, #tpu.memory_space<vmem_shared>>
      tpu.enqueue_dma source(%arg17 : memref<640xf32, #tpu.memory_space<vmem>>) target(%dma_start3A_87 : memref<640xf32, #tpu.memory_space<vmem_shared>>) target_semaphore(%run_scoped3A : memref<!tpu.dma_semaphore, #tpu.memory_space<semaphore_mem>>)
      %dma_wait3A_88 = tpu.memref_slice %arg19[%mul3A_40] : memref<10240xf32, #tpu.memory_space<vmem_shared>> -> memref<640xf32, #tpu.memory_space<vmem_shared>>
      %dma_wait3A_89 = tpu.memref_slice %arg19[%mul3A_40] : memref<10240xf32, #tpu.memory_space<vmem_shared>> -> memref<640xf32, #tpu.memory_space<vmem_shared>>
      tpu.wait_dma2 semaphore(%run_scoped3A : memref<!tpu.dma_semaphore, #tpu.memory_space<semaphore_mem>>) src(%arg17 : memref<640xf32, #tpu.memory_space<vmem>>) dst(%dma_wait3A_89 : memref<640xf32, #tpu.memory_space<vmem_shared>>)
      tpu.yield
    }) : () -> ()
    %barrier3A = arith.constant 0 : index
    tpu.barrier barrier_id(%barrier3A)
    %dma_start3A = arith.constant 0 : i32
    %dma_start3A_41 = arith.constant 0 : i32
    %dma_start3A_42 = tpu.memref_slice %arg11[%dma_start3A, %dma_start3A_41] : memref<250x80xi32, #tpu.memory_space<vmem>> -> memref<1x80xi32, #tpu.memory_space<vmem>>
    %dma_start3A_43 = tpu.memref_squeeze %dma_start3A_42 : memref<1x80xi32, #tpu.memory_space<vmem>> -> memref<80xi32, #tpu.memory_space<vmem>>
    %dma_start3A_44 = arith.constant 0 : i32
    %dma_start3A_45 = arith.constant 0 : i32
    %dma_start3A_46 = tpu.memref_slice %arg2[%arg0, %dma_start3A_44, %dma_start3A_45] : memref<2x10240x64xf32, #tpu.memory_space<hbm>> -> memref<1x10240x64xf32, #tpu.memory_space<hbm>>
    %dma_start3A_47 = tpu.memref_squeeze %dma_start3A_46 : memref<1x10240x64xf32, #tpu.memory_space<hbm>> -> memref<10240x64xf32, #tpu.memory_space<hbm>>
    %dma_start3A_48 = arith.constant 0 : i32
    %dma_start3A_49 = arith.constant 0 : i32
    %dma_start3A_50 = tpu.memref_slice %dma_start3A_47[%dma_start3A_48, %dma_start3A_49] : memref<10240x64xf32, #tpu.memory_space<hbm>> -> memref<10240x64xf32, #tpu.memory_space<hbm>>
    tpu.enqueue_indirect_dma source(%dma_start3A_50 : memref<10240x64xf32, #tpu.memory_space<hbm>>) target(%arg13 : memref<80x64xf32, #tpu.memory_space<vmem>>) offsets(%dma_start3A_43 : memref<80xi32, #tpu.memory_space<vmem>>) semaphore(%arg20 : memref<!tpu.dma_semaphore, #tpu.memory_space<semaphore_mem>>)
    %scan3A_51 = arith.constant 0 : i32
    %scan3A_52 = arith.constant 125 : i32
    %scan3A_53 = arith.addi %scan3A_51, %scan3A_52 : i32
    %scan3A_54 = arith.constant 1 : i32
    scf.for %scan3A_86 = %scan3A_51 to %scan3A_53 step %scan3A_54  : i32 {
      %mul3A_87 = arith.constant 2 : i32
      %mul3A_88 = arith.muli %scan3A_86, %mul3A_87 : i32
      %add3A_89 = arith.constant 0 : i32
      %add3A_90 = arith.addi %add3A_89, %mul3A_88 : i32
      %add3A_91 = arith.constant 0 : i32
      %add3A_92 = arith.addi %add3A_90, %add3A_91 : i32
      %eq3A_93 = arith.constant 0 : i32
      %eq3A_94 = arith.cmpi eq, %arg0, %eq3A_93 : i32
      %convert_element_type3A_95 = arith.extui %eq3A_94 : i1 to i32
      %cond3A_96 = arith.constant 0 : i32
      %cond3A_97 = arith.cmpi ne, %convert_element_type3A_95, %cond3A_96 : i32
      scf.if %cond3A_97 {
        %ge3A = arith.constant 2 : i32
        %ge3A_325 = arith.cmpi sge, %add3A_92, %ge3A : i32
        %convert_element_type3A_326 = arith.extui %ge3A_325 : i1 to i32
        %cond3A_327 = arith.constant 0 : i32
        %cond3A_328 = arith.cmpi ne, %convert_element_type3A_326, %cond3A_327 : i32
        scf.if %cond3A_328 {
          %dma_wait3A_329 = arith.constant 0 : i32
          %dma_wait3A_330 = tpu.memref_slice %arg12[%add3A_92, %dma_wait3A_329] : memref<250x80xi32, #tpu.memory_space<vmem>> -> memref<1x80xi32, #tpu.memory_space<vmem>>
          %dma_wait3A_331 = tpu.memref_squeeze %dma_wait3A_330 : memref<1x80xi32, #tpu.memory_space<vmem>> -> memref<80xi32, #tpu.memory_space<vmem>>
          %dma_wait3A_332 = arith.constant 0 : i32
          %dma_wait3A_333 = tpu.memref_slice %arg19[%dma_wait3A_332] : memref<10240xf32, #tpu.memory_space<vmem_shared>> -> memref<10240xf32, #tpu.memory_space<vmem_shared>>
          tpu.wait_indirect_dma semaphore(%arg24 : memref<!tpu.dma_semaphore, #tpu.memory_space<semaphore_mem>>) src(%arg15 : memref<80xf32, #tpu.memory_space<vmem>>) dst(%dma_wait3A_333 : memref<10240xf32, #tpu.memory_space<vmem_shared>>)
        } else {
        }
      } else {
      }
      %get3A = arith.index_cast %add3A_92 : i32 to index
      %get3A_98 = arith.constant 0 : index
      %get3A_99 = tpu.vector_load %arg11[%get3A, %get3A_98] {strides = array<i32>} : memref<250x80xi32, #tpu.memory_space<vmem>>, vector<16xi32>,
      %get3A_100 = arith.index_cast %add3A_92 : i32 to index
      %get3A_101 = arith.constant 0 : index
      %get3A_102 = tpu.vector_load %arg12[%get3A_100, %get3A_101] {strides = array<i32>} : memref<250x80xi32, #tpu.memory_space<vmem>>, vector<16xi32>,
      %gather3A = tpu.vector_load_idx %arg9[%get3A_99] : memref<10240xf32, #tpu.memory_space<vmem>>[vector<16xi32>], vector<16xf32>,
      %gather3A_103 = tpu.vector_load_idx %arg10[%get3A_102] : memref<10240xf32, #tpu.memory_space<vmem>>[vector<16xi32>], vector<16xf32>,
      %add3A_104 = arith.addf %gather3A, %gather3A_103 : vector<16xf32>
      %mul3A_105 = arith.constant 2.000000e-01 : f32
      %mul3A_106 = vector.broadcast %mul3A_105 : f32 to vector<16xf32>
      %mul3A_107 = arith.mulf %mul3A_106, %add3A_104 : vector<16xf32>
      %max3A = arith.maximumf %add3A_104, %mul3A_107 : vector<16xf32>
      %exp3A = math.exp %max3A : vector<16xf32>
      %swap3A = arith.constant 0 : index
      %swap3A_108 = tpu.vector_load %arg15[%swap3A] {strides = array<i32>} : memref<80xf32, #tpu.memory_space<vmem>>, vector<16xf32>,
      tpu.vector_store %arg15[%swap3A], %exp3A {strides = array<i32>} : memref<80xf32, #tpu.memory_space<vmem>>, vector<16xf32>,
      %get3A_109 = arith.index_cast %add3A_92 : i32 to index
      %get3A_110 = arith.constant 16 : index
      %get3A_111 = tpu.vector_load %arg11[%get3A_109, %get3A_110] {strides = array<i32>} : memref<250x80xi32, #tpu.memory_space<vmem>>, vector<16xi32>,
      %get3A_112 = arith.index_cast %add3A_92 : i32 to index
      %get3A_113 = arith.constant 16 : index
      %get3A_114 = tpu.vector_load %arg12[%get3A_112, %get3A_113] {strides = array<i32>} : memref<250x80xi32, #tpu.memory_space<vmem>>, vector<16xi32>,
      %gather3A_115 = tpu.vector_load_idx %arg9[%get3A_111] : memref<10240xf32, #tpu.memory_space<vmem>>[vector<16xi32>], vector<16xf32>,
      %gather3A_116 = tpu.vector_load_idx %arg10[%get3A_114] : memref<10240xf32, #tpu.memory_space<vmem>>[vector<16xi32>], vector<16xf32>,
      %add3A_117 = arith.addf %gather3A_115, %gather3A_116 : vector<16xf32>
      %mul3A_118 = arith.constant 2.000000e-01 : f32
      %mul3A_119 = vector.broadcast %mul3A_118 : f32 to vector<16xf32>
      %mul3A_120 = arith.mulf %mul3A_119, %add3A_117 : vector<16xf32>
      %max3A_121 = arith.maximumf %add3A_117, %mul3A_120 : vector<16xf32>
      %exp3A_122 = math.exp %max3A_121 : vector<16xf32>
      %swap3A_123 = arith.constant 16 : index
      %swap3A_124 = tpu.vector_load %arg15[%swap3A_123] {strides = array<i32>} : memref<80xf32, #tpu.memory_space<vmem>>, vector<16xf32>,
      tpu.vector_store %arg15[%swap3A_123], %exp3A_122 {strides = array<i32>} : memref<80xf32, #tpu.memory_space<vmem>>, vector<16xf32>,
      %get3A_125 = arith.index_cast %add3A_92 : i32 to index
      %get3A_126 = arith.constant 32 : index
      %get3A_127 = tpu.vector_load %arg11[%get3A_125, %get3A_126] {strides = array<i32>} : memref<250x80xi32, #tpu.memory_space<vmem>>, vector<16xi32>,
      %get3A_128 = arith.index_cast %add3A_92 : i32 to index
      %get3A_129 = arith.constant 32 : index
      %get3A_130 = tpu.vector_load %arg12[%get3A_128, %get3A_129] {strides = array<i32>} : memref<250x80xi32, #tpu.memory_space<vmem>>, vector<16xi32>,
      %gather3A_131 = tpu.vector_load_idx %arg9[%get3A_127] : memref<10240xf32, #tpu.memory_space<vmem>>[vector<16xi32>], vector<16xf32>,
      %gather3A_132 = tpu.vector_load_idx %arg10[%get3A_130] : memref<10240xf32, #tpu.memory_space<vmem>>[vector<16xi32>], vector<16xf32>,
      %add3A_133 = arith.addf %gather3A_131, %gather3A_132 : vector<16xf32>
      %mul3A_134 = arith.constant 2.000000e-01 : f32
      %mul3A_135 = vector.broadcast %mul3A_134 : f32 to vector<16xf32>
      %mul3A_136 = arith.mulf %mul3A_135, %add3A_133 : vector<16xf32>
      %max3A_137 = arith.maximumf %add3A_133, %mul3A_136 : vector<16xf32>
      %exp3A_138 = math.exp %max3A_137 : vector<16xf32>
      %swap3A_139 = arith.constant 32 : index
      %swap3A_140 = tpu.vector_load %arg15[%swap3A_139] {strides = array<i32>} : memref<80xf32, #tpu.memory_space<vmem>>, vector<16xf32>,
      tpu.vector_store %arg15[%swap3A_139], %exp3A_138 {strides = array<i32>} : memref<80xf32, #tpu.memory_space<vmem>>, vector<16xf32>,
      %get3A_141 = arith.index_cast %add3A_92 : i32 to index
      %get3A_142 = arith.constant 48 : index
      %get3A_143 = tpu.vector_load %arg11[%get3A_141, %get3A_142] {strides = array<i32>} : memref<250x80xi32, #tpu.memory_space<vmem>>, vector<16xi32>,
      %get3A_144 = arith.index_cast %add3A_92 : i32 to index
      %get3A_145 = arith.constant 48 : index
      %get3A_146 = tpu.vector_load %arg12[%get3A_144, %get3A_145] {strides = array<i32>} : memref<250x80xi32, #tpu.memory_space<vmem>>, vector<16xi32>,
      %gather3A_147 = tpu.vector_load_idx %arg9[%get3A_143] : memref<10240xf32, #tpu.memory_space<vmem>>[vector<16xi32>], vector<16xf32>,
      %gather3A_148 = tpu.vector_load_idx %arg10[%get3A_146] : memref<10240xf32, #tpu.memory_space<vmem>>[vector<16xi32>], vector<16xf32>,
      %add3A_149 = arith.addf %gather3A_147, %gather3A_148 : vector<16xf32>
      %mul3A_150 = arith.constant 2.000000e-01 : f32
      %mul3A_151 = vector.broadcast %mul3A_150 : f32 to vector<16xf32>
      %mul3A_152 = arith.mulf %mul3A_151, %add3A_149 : vector<16xf32>
      %max3A_153 = arith.maximumf %add3A_149, %mul3A_152 : vector<16xf32>
      %exp3A_154 = math.exp %max3A_153 : vector<16xf32>
      %swap3A_155 = arith.constant 48 : index
      %swap3A_156 = tpu.vector_load %arg15[%swap3A_155] {strides = array<i32>} : memref<80xf32, #tpu.memory_space<vmem>>, vector<16xf32>,
      tpu.vector_store %arg15[%swap3A_155], %exp3A_154 {strides = array<i32>} : memref<80xf32, #tpu.memory_space<vmem>>, vector<16xf32>,
      %get3A_157 = arith.index_cast %add3A_92 : i32 to index
      %get3A_158 = arith.constant 64 : index
      %get3A_159 = tpu.vector_load %arg11[%get3A_157, %get3A_158] {strides = array<i32>} : memref<250x80xi32, #tpu.memory_space<vmem>>, vector<16xi32>,
      %get3A_160 = arith.index_cast %add3A_92 : i32 to index
      %get3A_161 = arith.constant 64 : index
      %get3A_162 = tpu.vector_load %arg12[%get3A_160, %get3A_161] {strides = array<i32>} : memref<250x80xi32, #tpu.memory_space<vmem>>, vector<16xi32>,
      %gather3A_163 = tpu.vector_load_idx %arg9[%get3A_159] : memref<10240xf32, #tpu.memory_space<vmem>>[vector<16xi32>], vector<16xf32>,
      %gather3A_164 = tpu.vector_load_idx %arg10[%get3A_162] : memref<10240xf32, #tpu.memory_space<vmem>>[vector<16xi32>], vector<16xf32>,
      %add3A_165 = arith.addf %gather3A_163, %gather3A_164 : vector<16xf32>
      %mul3A_166 = arith.constant 2.000000e-01 : f32
      %mul3A_167 = vector.broadcast %mul3A_166 : f32 to vector<16xf32>
      %mul3A_168 = arith.mulf %mul3A_167, %add3A_165 : vector<16xf32>
      %max3A_169 = arith.maximumf %add3A_165, %mul3A_168 : vector<16xf32>
      %exp3A_170 = math.exp %max3A_169 : vector<16xf32>
      %swap3A_171 = arith.constant 64 : index
      %swap3A_172 = tpu.vector_load %arg15[%swap3A_171] {strides = array<i32>} : memref<80xf32, #tpu.memory_space<vmem>>, vector<16xf32>,
      tpu.vector_store %arg15[%swap3A_171], %exp3A_170 {strides = array<i32>} : memref<80xf32, #tpu.memory_space<vmem>>, vector<16xf32>,
      %add3A_173 = arith.constant 1 : i32
      %add3A_174 = arith.addi %add3A_92, %add3A_173 : i32
      %lt3A = arith.constant 250 : i32
      %lt3A_175 = arith.cmpi slt, %add3A_174, %lt3A : i32
      %convert_element_type3A_176 = arith.extui %lt3A_175 : i1 to i32
      %cond3A_177 = arith.constant 0 : i32
      %cond3A_178 = arith.cmpi ne, %convert_element_type3A_176, %cond3A_177 : i32
      scf.if %cond3A_178 {
        %ge3A = arith.constant 1 : i32
        %ge3A_325 = arith.cmpi sge, %add3A_92, %ge3A : i32
        %convert_element_type3A_326 = arith.extui %ge3A_325 : i1 to i32
        %cond3A_327 = arith.constant 0 : i32
        %cond3A_328 = arith.cmpi ne, %convert_element_type3A_326, %cond3A_327 : i32
        scf.if %cond3A_328 {
          %dma_wait3A_341 = arith.constant 0 : i32
          %dma_wait3A_342 = tpu.memref_slice %arg12[%add3A_92, %dma_wait3A_341] : memref<250x80xi32, #tpu.memory_space<vmem>> -> memref<1x80xi32, #tpu.memory_space<vmem>>
          %dma_wait3A_343 = tpu.memref_squeeze %dma_wait3A_342 : memref<1x80xi32, #tpu.memory_space<vmem>> -> memref<80xi32, #tpu.memory_space<vmem>>
          %dma_wait3A_344 = arith.constant 0 : i32
          %dma_wait3A_345 = arith.constant 0 : i32
          %dma_wait3A_346 = tpu.memref_slice %arg18[%dma_wait3A_344, %dma_wait3A_345] : memref<10240x64xf32, #tpu.memory_space<vmem_shared>> -> memref<10240x64xf32, #tpu.memory_space<vmem_shared>>
          tpu.wait_indirect_dma semaphore(%arg23 : memref<!tpu.dma_semaphore, #tpu.memory_space<semaphore_mem>>) src(%arg14 : memref<80x64xf32, #tpu.memory_space<vmem>>) dst(%dma_wait3A_346 : memref<10240x64xf32, #tpu.memory_space<vmem_shared>>)
        } else {
        }
        %add3A_329 = arith.constant 1 : i32
        %add3A_330 = arith.addi %add3A_92, %add3A_329 : i32
        %dma_start3A_331 = arith.constant 0 : i32
        %dma_start3A_332 = tpu.memref_slice %arg11[%add3A_330, %dma_start3A_331] : memref<250x80xi32, #tpu.memory_space<vmem>> -> memref<1x80xi32, #tpu.memory_space<vmem>>
        %dma_start3A_333 = tpu.memref_squeeze %dma_start3A_332 : memref<1x80xi32, #tpu.memory_space<vmem>> -> memref<80xi32, #tpu.memory_space<vmem>>
        %dma_start3A_334 = arith.constant 0 : i32
        %dma_start3A_335 = arith.constant 0 : i32
        %dma_start3A_336 = tpu.memref_slice %arg2[%arg0, %dma_start3A_334, %dma_start3A_335] : memref<2x10240x64xf32, #tpu.memory_space<hbm>> -> memref<1x10240x64xf32, #tpu.memory_space<hbm>>
        %dma_start3A_337 = tpu.memref_squeeze %dma_start3A_336 : memref<1x10240x64xf32, #tpu.memory_space<hbm>> -> memref<10240x64xf32, #tpu.memory_space<hbm>>
        %dma_start3A_338 = arith.constant 0 : i32
        %dma_start3A_339 = arith.constant 0 : i32
        %dma_start3A_340 = tpu.memref_slice %dma_start3A_337[%dma_start3A_338, %dma_start3A_339] : memref<10240x64xf32, #tpu.memory_space<hbm>> -> memref<10240x64xf32, #tpu.memory_space<hbm>>
        tpu.enqueue_indirect_dma source(%dma_start3A_340 : memref<10240x64xf32, #tpu.memory_space<hbm>>) target(%arg14 : memref<80x64xf32, #tpu.memory_space<vmem>>) offsets(%dma_start3A_333 : memref<80xi32, #tpu.memory_space<vmem>>) semaphore(%arg21 : memref<!tpu.dma_semaphore, #tpu.memory_space<semaphore_mem>>)
      } else {
      }
      %dma_wait3A_179 = arith.constant 0 : i32
      %dma_wait3A_180 = tpu.memref_slice %arg11[%add3A_92, %dma_wait3A_179] : memref<250x80xi32, #tpu.memory_space<vmem>> -> memref<1x80xi32, #tpu.memory_space<vmem>>
      %dma_wait3A_181 = tpu.memref_squeeze %dma_wait3A_180 : memref<1x80xi32, #tpu.memory_space<vmem>> -> memref<80xi32, #tpu.memory_space<vmem>>
      %dma_wait3A_182 = arith.constant 0 : i32
      %dma_wait3A_183 = arith.constant 0 : i32
      %dma_wait3A_184 = tpu.memref_slice %arg2[%arg0, %dma_wait3A_182, %dma_wait3A_183] : memref<2x10240x64xf32, #tpu.memory_space<hbm>> -> memref<1x10240x64xf32, #tpu.memory_space<hbm>>
      %dma_wait3A_185 = tpu.memref_squeeze %dma_wait3A_184 : memref<1x10240x64xf32, #tpu.memory_space<hbm>> -> memref<10240x64xf32, #tpu.memory_space<hbm>>
      %dma_wait3A_186 = arith.constant 0 : i32
      %dma_wait3A_187 = arith.constant 0 : i32
      %dma_wait3A_188 = tpu.memref_slice %dma_wait3A_185[%dma_wait3A_186, %dma_wait3A_187] : memref<10240x64xf32, #tpu.memory_space<hbm>> -> memref<10240x64xf32, #tpu.memory_space<hbm>>
      tpu.wait_indirect_dma semaphore(%arg20 : memref<!tpu.dma_semaphore, #tpu.memory_space<semaphore_mem>>) src(%dma_wait3A_188 : memref<10240x64xf32, #tpu.memory_space<hbm>>) dst(%arg13 : memref<80x64xf32, #tpu.memory_space<vmem>>)
      %scan3A_189 = arith.constant 0 : i32
      %scan3A_190 = arith.constant 80 : i32
      %scan3A_191 = arith.addi %scan3A_189, %scan3A_190 : i32
      %scan3A_192 = arith.constant 1 : i32
      scf.for %scan3A_325 = %scan3A_189 to %scan3A_191 step %scan3A_192  : i32 {
        %mul3A_326 = arith.constant 1 : i32
        %mul3A_327 = arith.muli %scan3A_325, %mul3A_326 : i32
        %add3A_328 = arith.constant 0 : i32
        %add3A_329 = arith.addi %add3A_328, %mul3A_327 : i32
        %broadcast_in_dim3A = vector.broadcast %add3A_329 : i32 to vector<16xi32>
        %gather3A_330 = tpu.vector_load_idx %arg15[%broadcast_in_dim3A] : memref<80xf32, #tpu.memory_space<vmem>>[vector<16xi32>], vector<16xf32>,
        %get3A_331 = arith.index_cast %add3A_329 : i32 to index
        %get3A_332 = arith.constant 0 : index
        %get3A_333 = tpu.vector_load %arg13[%get3A_331, %get3A_332] {strides = array<i32>} : memref<80x64xf32, #tpu.memory_space<vmem>>, vector<16xf32>,
        %mul3A_334 = arith.mulf %get3A_333, %gather3A_330 : vector<16xf32>
        %swap3A_335 = arith.index_cast %add3A_329 : i32 to index
        %swap3A_336 = arith.constant 0 : index
        %swap3A_337 = tpu.vector_load %arg13[%swap3A_335, %swap3A_336] {strides = array<i32>} : memref<80x64xf32, #tpu.memory_space<vmem>>, vector<16xf32>,
        tpu.vector_store %arg13[%swap3A_335, %swap3A_336], %mul3A_334 {strides = array<i32>} : memref<80x64xf32, #tpu.memory_space<vmem>>, vector<16xf32>,
        %get3A_338 = arith.index_cast %add3A_329 : i32 to index
        %get3A_339 = arith.constant 16 : index
        %get3A_340 = tpu.vector_load %arg13[%get3A_338, %get3A_339] {strides = array<i32>} : memref<80x64xf32, #tpu.memory_space<vmem>>, vector<16xf32>,
        %mul3A_341 = arith.mulf %get3A_340, %gather3A_330 : vector<16xf32>
        %swap3A_342 = arith.index_cast %add3A_329 : i32 to index
        %swap3A_343 = arith.constant 16 : index
        %swap3A_344 = tpu.vector_load %arg13[%swap3A_342, %swap3A_343] {strides = array<i32>} : memref<80x64xf32, #tpu.memory_space<vmem>>, vector<16xf32>,
        tpu.vector_store %arg13[%swap3A_342, %swap3A_343], %mul3A_341 {strides = array<i32>} : memref<80x64xf32, #tpu.memory_space<vmem>>, vector<16xf32>,
        %get3A_345 = arith.index_cast %add3A_329 : i32 to index
        %get3A_346 = arith.constant 32 : index
        %get3A_347 = tpu.vector_load %arg13[%get3A_345, %get3A_346] {strides = array<i32>} : memref<80x64xf32, #tpu.memory_space<vmem>>, vector<16xf32>,
        %mul3A_348 = arith.mulf %get3A_347, %gather3A_330 : vector<16xf32>
        %swap3A_349 = arith.index_cast %add3A_329 : i32 to index
        %swap3A_350 = arith.constant 32 : index
        %swap3A_351 = tpu.vector_load %arg13[%swap3A_349, %swap3A_350] {strides = array<i32>} : memref<80x64xf32, #tpu.memory_space<vmem>>, vector<16xf32>,
        tpu.vector_store %arg13[%swap3A_349, %swap3A_350], %mul3A_348 {strides = array<i32>} : memref<80x64xf32, #tpu.memory_space<vmem>>, vector<16xf32>,
        %get3A_352 = arith.index_cast %add3A_329 : i32 to index
        %get3A_353 = arith.constant 48 : index
        %get3A_354 = tpu.vector_load %arg13[%get3A_352, %get3A_353] {strides = array<i32>} : memref<80x64xf32, #tpu.memory_space<vmem>>, vector<16xf32>,
        %mul3A_355 = arith.mulf %get3A_354, %gather3A_330 : vector<16xf32>
        %swap3A_356 = arith.index_cast %add3A_329 : i32 to index
        %swap3A_357 = arith.constant 48 : index
        %swap3A_358 = tpu.vector_load %arg13[%swap3A_356, %swap3A_357] {strides = array<i32>} : memref<80x64xf32, #tpu.memory_space<vmem>>, vector<16xf32>,
        tpu.vector_store %arg13[%swap3A_356, %swap3A_357], %mul3A_355 {strides = array<i32>} : memref<80x64xf32, #tpu.memory_space<vmem>>, vector<16xf32>,
      }
      %scan3A_193 = arith.constant 80 : i32
      %dma_start3A_194 = arith.constant 0 : i32
      %dma_start3A_195 = tpu.memref_slice %arg12[%add3A_92, %dma_start3A_194] : memref<250x80xi32, #tpu.memory_space<vmem>> -> memref<1x80xi32, #tpu.memory_space<vmem>>
      %dma_start3A_196 = tpu.memref_squeeze %dma_start3A_195 : memref<1x80xi32, #tpu.memory_space<vmem>> -> memref<80xi32, #tpu.memory_space<vmem>>
      %dma_start3A_197 = arith.constant 0 : i32
      %dma_start3A_198 = arith.constant 0 : i32
      %dma_start3A_199 = tpu.memref_slice %arg18[%dma_start3A_197, %dma_start3A_198] : memref<10240x64xf32, #tpu.memory_space<vmem_shared>> -> memref<10240x64xf32, #tpu.memory_space<vmem_shared>>
      tpu.enqueue_indirect_dma source(%arg13 : memref<80x64xf32, #tpu.memory_space<vmem>>) target(%dma_start3A_199 : memref<10240x64xf32, #tpu.memory_space<vmem_shared>>) offsets(%dma_start3A_196 : memref<80xi32, #tpu.memory_space<vmem>>) semaphore(%arg22 : memref<!tpu.dma_semaphore, #tpu.memory_space<semaphore_mem>>) {add = true}
      %eq3A_200 = arith.constant 0 : i32
      %eq3A_201 = arith.cmpi eq, %arg0, %eq3A_200 : i32
      %convert_element_type3A_202 = arith.extui %eq3A_201 : i1 to i32
      %cond3A_203 = arith.constant 0 : i32
      %cond3A_204 = arith.cmpi ne, %convert_element_type3A_202, %cond3A_203 : i32
      scf.if %cond3A_204 {
        %dma_start3A_325 = arith.constant 0 : i32
        %dma_start3A_326 = tpu.memref_slice %arg12[%add3A_92, %dma_start3A_325] : memref<250x80xi32, #tpu.memory_space<vmem>> -> memref<1x80xi32, #tpu.memory_space<vmem>>
        %dma_start3A_327 = tpu.memref_squeeze %dma_start3A_326 : memref<1x80xi32, #tpu.memory_space<vmem>> -> memref<80xi32, #tpu.memory_space<vmem>>
        %dma_start3A_328 = arith.constant 0 : i32
        %dma_start3A_329 = tpu.memref_slice %arg19[%dma_start3A_328] : memref<10240xf32, #tpu.memory_space<vmem_shared>> -> memref<10240xf32, #tpu.memory_space<vmem_shared>>
        tpu.enqueue_indirect_dma source(%arg15 : memref<80xf32, #tpu.memory_space<vmem>>) target(%dma_start3A_329 : memref<10240xf32, #tpu.memory_space<vmem_shared>>) offsets(%dma_start3A_327 : memref<80xi32, #tpu.memory_space<vmem>>) semaphore(%arg24 : memref<!tpu.dma_semaphore, #tpu.memory_space<semaphore_mem>>) {add = true}
      } else {
      }
      %add3A_205 = arith.constant 1 : i32
      %add3A_206 = arith.addi %add3A_90, %add3A_205 : i32
      %eq3A_207 = arith.constant 0 : i32
      %eq3A_208 = arith.cmpi eq, %arg0, %eq3A_207 : i32
      %convert_element_type3A_209 = arith.extui %eq3A_208 : i1 to i32
      %cond3A_210 = arith.constant 0 : i32
      %cond3A_211 = arith.cmpi ne, %convert_element_type3A_209, %cond3A_210 : i32
      scf.if %cond3A_211 {
        %ge3A = arith.constant 2 : i32
        %ge3A_325 = arith.cmpi sge, %add3A_206, %ge3A : i32
        %convert_element_type3A_326 = arith.extui %ge3A_325 : i1 to i32
        %cond3A_327 = arith.constant 0 : i32
        %cond3A_328 = arith.cmpi ne, %convert_element_type3A_326, %cond3A_327 : i32
        scf.if %cond3A_328 {
          %dma_wait3A_329 = arith.constant 0 : i32
          %dma_wait3A_330 = tpu.memref_slice %arg12[%add3A_206, %dma_wait3A_329] : memref<250x80xi32, #tpu.memory_space<vmem>> -> memref<1x80xi32, #tpu.memory_space<vmem>>
          %dma_wait3A_331 = tpu.memref_squeeze %dma_wait3A_330 : memref<1x80xi32, #tpu.memory_space<vmem>> -> memref<80xi32, #tpu.memory_space<vmem>>
          %dma_wait3A_332 = arith.constant 0 : i32
          %dma_wait3A_333 = tpu.memref_slice %arg19[%dma_wait3A_332] : memref<10240xf32, #tpu.memory_space<vmem_shared>> -> memref<10240xf32, #tpu.memory_space<vmem_shared>>
          tpu.wait_indirect_dma semaphore(%arg25 : memref<!tpu.dma_semaphore, #tpu.memory_space<semaphore_mem>>) src(%arg16 : memref<80xf32, #tpu.memory_space<vmem>>) dst(%dma_wait3A_333 : memref<10240xf32, #tpu.memory_space<vmem_shared>>)
        } else {
        }
      } else {
      }
      %get3A_212 = arith.index_cast %add3A_206 : i32 to index
      %get3A_213 = arith.constant 0 : index
      %get3A_214 = tpu.vector_load %arg11[%get3A_212, %get3A_213] {strides = array<i32>} : memref<250x80xi32, #tpu.memory_space<vmem>>, vector<16xi32>,
      %get3A_215 = arith.index_cast %add3A_206 : i32 to index
      %get3A_216 = arith.constant 0 : index
      %get3A_217 = tpu.vector_load %arg12[%get3A_215, %get3A_216] {strides = array<i32>} : memref<250x80xi32, #tpu.memory_space<vmem>>, vector<16xi32>,
      %gather3A_218 = tpu.vector_load_idx %arg9[%get3A_214] : memref<10240xf32, #tpu.memory_space<vmem>>[vector<16xi32>], vector<16xf32>,
      %gather3A_219 = tpu.vector_load_idx %arg10[%get3A_217] : memref<10240xf32, #tpu.memory_space<vmem>>[vector<16xi32>], vector<16xf32>,
      %add3A_220 = arith.addf %gather3A_218, %gather3A_219 : vector<16xf32>
      %mul3A_221 = arith.constant 2.000000e-01 : f32
      %mul3A_222 = vector.broadcast %mul3A_221 : f32 to vector<16xf32>
      %mul3A_223 = arith.mulf %mul3A_222, %add3A_220 : vector<16xf32>
      %max3A_224 = arith.maximumf %add3A_220, %mul3A_223 : vector<16xf32>
      %exp3A_225 = math.exp %max3A_224 : vector<16xf32>
      %swap3A_226 = arith.constant 0 : index
      %swap3A_227 = tpu.vector_load %arg16[%swap3A_226] {strides = array<i32>} : memref<80xf32, #tpu.memory_space<vmem>>, vector<16xf32>,
      tpu.vector_store %arg16[%swap3A_226], %exp3A_225 {strides = array<i32>} : memref<80xf32, #tpu.memory_space<vmem>>, vector<16xf32>,
      %get3A_228 = arith.index_cast %add3A_206 : i32 to index
      %get3A_229 = arith.constant 16 : index
      %get3A_230 = tpu.vector_load %arg11[%get3A_228, %get3A_229] {strides = array<i32>} : memref<250x80xi32, #tpu.memory_space<vmem>>, vector<16xi32>,
      %get3A_231 = arith.index_cast %add3A_206 : i32 to index
      %get3A_232 = arith.constant 16 : index
      %get3A_233 = tpu.vector_load %arg12[%get3A_231, %get3A_232] {strides = array<i32>} : memref<250x80xi32, #tpu.memory_space<vmem>>, vector<16xi32>,
      %gather3A_234 = tpu.vector_load_idx %arg9[%get3A_230] : memref<10240xf32, #tpu.memory_space<vmem>>[vector<16xi32>], vector<16xf32>,
      %gather3A_235 = tpu.vector_load_idx %arg10[%get3A_233] : memref<10240xf32, #tpu.memory_space<vmem>>[vector<16xi32>], vector<16xf32>,
      %add3A_236 = arith.addf %gather3A_234, %gather3A_235 : vector<16xf32>
      %mul3A_237 = arith.constant 2.000000e-01 : f32
      %mul3A_238 = vector.broadcast %mul3A_237 : f32 to vector<16xf32>
      %mul3A_239 = arith.mulf %mul3A_238, %add3A_236 : vector<16xf32>
      %max3A_240 = arith.maximumf %add3A_236, %mul3A_239 : vector<16xf32>
      %exp3A_241 = math.exp %max3A_240 : vector<16xf32>
      %swap3A_242 = arith.constant 16 : index
      %swap3A_243 = tpu.vector_load %arg16[%swap3A_242] {strides = array<i32>} : memref<80xf32, #tpu.memory_space<vmem>>, vector<16xf32>,
      tpu.vector_store %arg16[%swap3A_242], %exp3A_241 {strides = array<i32>} : memref<80xf32, #tpu.memory_space<vmem>>, vector<16xf32>,
      %get3A_244 = arith.index_cast %add3A_206 : i32 to index
      %get3A_245 = arith.constant 32 : index
      %get3A_246 = tpu.vector_load %arg11[%get3A_244, %get3A_245] {strides = array<i32>} : memref<250x80xi32, #tpu.memory_space<vmem>>, vector<16xi32>,
      %get3A_247 = arith.index_cast %add3A_206 : i32 to index
      %get3A_248 = arith.constant 32 : index
      %get3A_249 = tpu.vector_load %arg12[%get3A_247, %get3A_248] {strides = array<i32>} : memref<250x80xi32, #tpu.memory_space<vmem>>, vector<16xi32>,
      %gather3A_250 = tpu.vector_load_idx %arg9[%get3A_246] : memref<10240xf32, #tpu.memory_space<vmem>>[vector<16xi32>], vector<16xf32>,
      %gather3A_251 = tpu.vector_load_idx %arg10[%get3A_249] : memref<10240xf32, #tpu.memory_space<vmem>>[vector<16xi32>], vector<16xf32>,
      %add3A_252 = arith.addf %gather3A_250, %gather3A_251 : vector<16xf32>
      %mul3A_253 = arith.constant 2.000000e-01 : f32
      %mul3A_254 = vector.broadcast %mul3A_253 : f32 to vector<16xf32>
      %mul3A_255 = arith.mulf %mul3A_254, %add3A_252 : vector<16xf32>
      %max3A_256 = arith.maximumf %add3A_252, %mul3A_255 : vector<16xf32>
      %exp3A_257 = math.exp %max3A_256 : vector<16xf32>
      %swap3A_258 = arith.constant 32 : index
      %swap3A_259 = tpu.vector_load %arg16[%swap3A_258] {strides = array<i32>} : memref<80xf32, #tpu.memory_space<vmem>>, vector<16xf32>,
      tpu.vector_store %arg16[%swap3A_258], %exp3A_257 {strides = array<i32>} : memref<80xf32, #tpu.memory_space<vmem>>, vector<16xf32>,
      %get3A_260 = arith.index_cast %add3A_206 : i32 to index
      %get3A_261 = arith.constant 48 : index
      %get3A_262 = tpu.vector_load %arg11[%get3A_260, %get3A_261] {strides = array<i32>} : memref<250x80xi32, #tpu.memory_space<vmem>>, vector<16xi32>,
      %get3A_263 = arith.index_cast %add3A_206 : i32 to index
      %get3A_264 = arith.constant 48 : index
      %get3A_265 = tpu.vector_load %arg12[%get3A_263, %get3A_264] {strides = array<i32>} : memref<250x80xi32, #tpu.memory_space<vmem>>, vector<16xi32>,
      %gather3A_266 = tpu.vector_load_idx %arg9[%get3A_262] : memref<10240xf32, #tpu.memory_space<vmem>>[vector<16xi32>], vector<16xf32>,
      %gather3A_267 = tpu.vector_load_idx %arg10[%get3A_265] : memref<10240xf32, #tpu.memory_space<vmem>>[vector<16xi32>], vector<16xf32>,
      %add3A_268 = arith.addf %gather3A_266, %gather3A_267 : vector<16xf32>
      %mul3A_269 = arith.constant 2.000000e-01 : f32
      %mul3A_270 = vector.broadcast %mul3A_269 : f32 to vector<16xf32>
      %mul3A_271 = arith.mulf %mul3A_270, %add3A_268 : vector<16xf32>
      %max3A_272 = arith.maximumf %add3A_268, %mul3A_271 : vector<16xf32>
      %exp3A_273 = math.exp %max3A_272 : vector<16xf32>
      %swap3A_274 = arith.constant 48 : index
      %swap3A_275 = tpu.vector_load %arg16[%swap3A_274] {strides = array<i32>} : memref<80xf32, #tpu.memory_space<vmem>>, vector<16xf32>,
      tpu.vector_store %arg16[%swap3A_274], %exp3A_273 {strides = array<i32>} : memref<80xf32, #tpu.memory_space<vmem>>, vector<16xf32>,
      %get3A_276 = arith.index_cast %add3A_206 : i32 to index
      %get3A_277 = arith.constant 64 : index
      %get3A_278 = tpu.vector_load %arg11[%get3A_276, %get3A_277] {strides = array<i32>} : memref<250x80xi32, #tpu.memory_space<vmem>>, vector<16xi32>,
      %get3A_279 = arith.index_cast %add3A_206 : i32 to index
      %get3A_280 = arith.constant 64 : index
      %get3A_281 = tpu.vector_load %arg12[%get3A_279, %get3A_280] {strides = array<i32>} : memref<250x80xi32, #tpu.memory_space<vmem>>, vector<16xi32>,
      %gather3A_282 = tpu.vector_load_idx %arg9[%get3A_278] : memref<10240xf32, #tpu.memory_space<vmem>>[vector<16xi32>], vector<16xf32>,
      %gather3A_283 = tpu.vector_load_idx %arg10[%get3A_281] : memref<10240xf32, #tpu.memory_space<vmem>>[vector<16xi32>], vector<16xf32>,
      %add3A_284 = arith.addf %gather3A_282, %gather3A_283 : vector<16xf32>
      %mul3A_285 = arith.constant 2.000000e-01 : f32
      %mul3A_286 = vector.broadcast %mul3A_285 : f32 to vector<16xf32>
      %mul3A_287 = arith.mulf %mul3A_286, %add3A_284 : vector<16xf32>
      %max3A_288 = arith.maximumf %add3A_284, %mul3A_287 : vector<16xf32>
      %exp3A_289 = math.exp %max3A_288 : vector<16xf32>
      %swap3A_290 = arith.constant 64 : index
      %swap3A_291 = tpu.vector_load %arg16[%swap3A_290] {strides = array<i32>} : memref<80xf32, #tpu.memory_space<vmem>>, vector<16xf32>,
      tpu.vector_store %arg16[%swap3A_290], %exp3A_289 {strides = array<i32>} : memref<80xf32, #tpu.memory_space<vmem>>, vector<16xf32>,
      %add3A_292 = arith.constant 1 : i32
      %add3A_293 = arith.addi %add3A_206, %add3A_292 : i32
      %lt3A_294 = arith.constant 250 : i32
      %lt3A_295 = arith.cmpi slt, %add3A_293, %lt3A_294 : i32
      %convert_element_type3A_296 = arith.extui %lt3A_295 : i1 to i32
      %cond3A_297 = arith.constant 0 : i32
      %cond3A_298 = arith.cmpi ne, %convert_element_type3A_296, %cond3A_297 : i32
      scf.if %cond3A_298 {
        %ge3A = arith.constant 1 : i32
        %ge3A_325 = arith.cmpi sge, %add3A_206, %ge3A : i32
        %convert_element_type3A_326 = arith.extui %ge3A_325 : i1 to i32
        %cond3A_327 = arith.constant 0 : i32
        %cond3A_328 = arith.cmpi ne, %convert_element_type3A_326, %cond3A_327 : i32
        scf.if %cond3A_328 {
          %dma_wait3A_341 = arith.constant 0 : i32
          %dma_wait3A_342 = tpu.memref_slice %arg12[%add3A_206, %dma_wait3A_341] : memref<250x80xi32, #tpu.memory_space<vmem>> -> memref<1x80xi32, #tpu.memory_space<vmem>>
          %dma_wait3A_343 = tpu.memref_squeeze %dma_wait3A_342 : memref<1x80xi32, #tpu.memory_space<vmem>> -> memref<80xi32, #tpu.memory_space<vmem>>
          %dma_wait3A_344 = arith.constant 0 : i32
          %dma_wait3A_345 = arith.constant 0 : i32
          %dma_wait3A_346 = tpu.memref_slice %arg18[%dma_wait3A_344, %dma_wait3A_345] : memref<10240x64xf32, #tpu.memory_space<vmem_shared>> -> memref<10240x64xf32, #tpu.memory_space<vmem_shared>>
          tpu.wait_indirect_dma semaphore(%arg22 : memref<!tpu.dma_semaphore, #tpu.memory_space<semaphore_mem>>) src(%arg13 : memref<80x64xf32, #tpu.memory_space<vmem>>) dst(%dma_wait3A_346 : memref<10240x64xf32, #tpu.memory_space<vmem_shared>>)
        } else {
        }
        %add3A_329 = arith.constant 1 : i32
        %add3A_330 = arith.addi %add3A_206, %add3A_329 : i32
        %dma_start3A_331 = arith.constant 0 : i32
        %dma_start3A_332 = tpu.memref_slice %arg11[%add3A_330, %dma_start3A_331] : memref<250x80xi32, #tpu.memory_space<vmem>> -> memref<1x80xi32, #tpu.memory_space<vmem>>
        %dma_start3A_333 = tpu.memref_squeeze %dma_start3A_332 : memref<1x80xi32, #tpu.memory_space<vmem>> -> memref<80xi32, #tpu.memory_space<vmem>>
        %dma_start3A_334 = arith.constant 0 : i32
        %dma_start3A_335 = arith.constant 0 : i32
        %dma_start3A_336 = tpu.memref_slice %arg2[%arg0, %dma_start3A_334, %dma_start3A_335] : memref<2x10240x64xf32, #tpu.memory_space<hbm>> -> memref<1x10240x64xf32, #tpu.memory_space<hbm>>
        %dma_start3A_337 = tpu.memref_squeeze %dma_start3A_336 : memref<1x10240x64xf32, #tpu.memory_space<hbm>> -> memref<10240x64xf32, #tpu.memory_space<hbm>>
        %dma_start3A_338 = arith.constant 0 : i32
        %dma_start3A_339 = arith.constant 0 : i32
        %dma_start3A_340 = tpu.memref_slice %dma_start3A_337[%dma_start3A_338, %dma_start3A_339] : memref<10240x64xf32, #tpu.memory_space<hbm>> -> memref<10240x64xf32, #tpu.memory_space<hbm>>
        tpu.enqueue_indirect_dma source(%dma_start3A_340 : memref<10240x64xf32, #tpu.memory_space<hbm>>) target(%arg13 : memref<80x64xf32, #tpu.memory_space<vmem>>) offsets(%dma_start3A_333 : memref<80xi32, #tpu.memory_space<vmem>>) semaphore(%arg20 : memref<!tpu.dma_semaphore, #tpu.memory_space<semaphore_mem>>)
      } else {
      }
      %dma_wait3A_299 = arith.constant 0 : i32
      %dma_wait3A_300 = tpu.memref_slice %arg11[%add3A_206, %dma_wait3A_299] : memref<250x80xi32, #tpu.memory_space<vmem>> -> memref<1x80xi32, #tpu.memory_space<vmem>>
      %dma_wait3A_301 = tpu.memref_squeeze %dma_wait3A_300 : memref<1x80xi32, #tpu.memory_space<vmem>> -> memref<80xi32, #tpu.memory_space<vmem>>
      %dma_wait3A_302 = arith.constant 0 : i32
      %dma_wait3A_303 = arith.constant 0 : i32
      %dma_wait3A_304 = tpu.memref_slice %arg2[%arg0, %dma_wait3A_302, %dma_wait3A_303] : memref<2x10240x64xf32, #tpu.memory_space<hbm>> -> memref<1x10240x64xf32, #tpu.memory_space<hbm>>
      %dma_wait3A_305 = tpu.memref_squeeze %dma_wait3A_304 : memref<1x10240x64xf32, #tpu.memory_space<hbm>> -> memref<10240x64xf32, #tpu.memory_space<hbm>>
      %dma_wait3A_306 = arith.constant 0 : i32
      %dma_wait3A_307 = arith.constant 0 : i32
      %dma_wait3A_308 = tpu.memref_slice %dma_wait3A_305[%dma_wait3A_306, %dma_wait3A_307] : memref<10240x64xf32, #tpu.memory_space<hbm>> -> memref<10240x64xf32, #tpu.memory_space<hbm>>
      tpu.wait_indirect_dma semaphore(%arg21 : memref<!tpu.dma_semaphore, #tpu.memory_space<semaphore_mem>>) src(%dma_wait3A_308 : memref<10240x64xf32, #tpu.memory_space<hbm>>) dst(%arg14 : memref<80x64xf32, #tpu.memory_space<vmem>>)
      %scan3A_309 = arith.constant 0 : i32
      %scan3A_310 = arith.constant 80 : i32
      %scan3A_311 = arith.addi %scan3A_309, %scan3A_310 : i32
      %scan3A_312 = arith.constant 1 : i32
      scf.for %scan3A_325 = %scan3A_309 to %scan3A_311 step %scan3A_312  : i32 {
        %mul3A_326 = arith.constant 1 : i32
        %mul3A_327 = arith.muli %scan3A_325, %mul3A_326 : i32
        %add3A_328 = arith.constant 0 : i32
        %add3A_329 = arith.addi %add3A_328, %mul3A_327 : i32
        %broadcast_in_dim3A = vector.broadcast %add3A_329 : i32 to vector<16xi32>
        %gather3A_330 = tpu.vector_load_idx %arg16[%broadcast_in_dim3A] : memref<80xf32, #tpu.memory_space<vmem>>[vector<16xi32>], vector<16xf32>,
        %get3A_331 = arith.index_cast %add3A_329 : i32 to index
        %get3A_332 = arith.constant 0 : index
        %get3A_333 = tpu.vector_load %arg14[%get3A_331, %get3A_332] {strides = array<i32>} : memref<80x64xf32, #tpu.memory_space<vmem>>, vector<16xf32>,
        %mul3A_334 = arith.mulf %get3A_333, %gather3A_330 : vector<16xf32>
        %swap3A_335 = arith.index_cast %add3A_329 : i32 to index
        %swap3A_336 = arith.constant 0 : index
        %swap3A_337 = tpu.vector_load %arg14[%swap3A_335, %swap3A_336] {strides = array<i32>} : memref<80x64xf32, #tpu.memory_space<vmem>>, vector<16xf32>,
        tpu.vector_store %arg14[%swap3A_335, %swap3A_336], %mul3A_334 {strides = array<i32>} : memref<80x64xf32, #tpu.memory_space<vmem>>, vector<16xf32>,
        %get3A_338 = arith.index_cast %add3A_329 : i32 to index
        %get3A_339 = arith.constant 16 : index
        %get3A_340 = tpu.vector_load %arg14[%get3A_338, %get3A_339] {strides = array<i32>} : memref<80x64xf32, #tpu.memory_space<vmem>>, vector<16xf32>,
        %mul3A_341 = arith.mulf %get3A_340, %gather3A_330 : vector<16xf32>
        %swap3A_342 = arith.index_cast %add3A_329 : i32 to index
        %swap3A_343 = arith.constant 16 : index
        %swap3A_344 = tpu.vector_load %arg14[%swap3A_342, %swap3A_343] {strides = array<i32>} : memref<80x64xf32, #tpu.memory_space<vmem>>, vector<16xf32>,
        tpu.vector_store %arg14[%swap3A_342, %swap3A_343], %mul3A_341 {strides = array<i32>} : memref<80x64xf32, #tpu.memory_space<vmem>>, vector<16xf32>,
        %get3A_345 = arith.index_cast %add3A_329 : i32 to index
        %get3A_346 = arith.constant 32 : index
        %get3A_347 = tpu.vector_load %arg14[%get3A_345, %get3A_346] {strides = array<i32>} : memref<80x64xf32, #tpu.memory_space<vmem>>, vector<16xf32>,
        %mul3A_348 = arith.mulf %get3A_347, %gather3A_330 : vector<16xf32>
        %swap3A_349 = arith.index_cast %add3A_329 : i32 to index
        %swap3A_350 = arith.constant 32 : index
        %swap3A_351 = tpu.vector_load %arg14[%swap3A_349, %swap3A_350] {strides = array<i32>} : memref<80x64xf32, #tpu.memory_space<vmem>>, vector<16xf32>,
        tpu.vector_store %arg14[%swap3A_349, %swap3A_350], %mul3A_348 {strides = array<i32>} : memref<80x64xf32, #tpu.memory_space<vmem>>, vector<16xf32>,
        %get3A_352 = arith.index_cast %add3A_329 : i32 to index
        %get3A_353 = arith.constant 48 : index
        %get3A_354 = tpu.vector_load %arg14[%get3A_352, %get3A_353] {strides = array<i32>} : memref<80x64xf32, #tpu.memory_space<vmem>>, vector<16xf32>,
        %mul3A_355 = arith.mulf %get3A_354, %gather3A_330 : vector<16xf32>
        %swap3A_356 = arith.index_cast %add3A_329 : i32 to index
        %swap3A_357 = arith.constant 48 : index
        %swap3A_358 = tpu.vector_load %arg14[%swap3A_356, %swap3A_357] {strides = array<i32>} : memref<80x64xf32, #tpu.memory_space<vmem>>, vector<16xf32>,
        tpu.vector_store %arg14[%swap3A_356, %swap3A_357], %mul3A_355 {strides = array<i32>} : memref<80x64xf32, #tpu.memory_space<vmem>>, vector<16xf32>,
      }
      %scan3A_313 = arith.constant 80 : i32
      %dma_start3A_314 = arith.constant 0 : i32
      %dma_start3A_315 = tpu.memref_slice %arg12[%add3A_206, %dma_start3A_314] : memref<250x80xi32, #tpu.memory_space<vmem>> -> memref<1x80xi32, #tpu.memory_space<vmem>>
      %dma_start3A_316 = tpu.memref_squeeze %dma_start3A_315 : memref<1x80xi32, #tpu.memory_space<vmem>> -> memref<80xi32, #tpu.memory_space<vmem>>
      %dma_start3A_317 = arith.constant 0 : i32
      %dma_start3A_318 = arith.constant 0 : i32
      %dma_start3A_319 = tpu.memref_slice %arg18[%dma_start3A_317, %dma_start3A_318] : memref<10240x64xf32, #tpu.memory_space<vmem_shared>> -> memref<10240x64xf32, #tpu.memory_space<vmem_shared>>
      tpu.enqueue_indirect_dma source(%arg14 : memref<80x64xf32, #tpu.memory_space<vmem>>) target(%dma_start3A_319 : memref<10240x64xf32, #tpu.memory_space<vmem_shared>>) offsets(%dma_start3A_316 : memref<80xi32, #tpu.memory_space<vmem>>) semaphore(%arg23 : memref<!tpu.dma_semaphore, #tpu.memory_space<semaphore_mem>>) {add = true}
      %eq3A_320 = arith.constant 0 : i32
      %eq3A_321 = arith.cmpi eq, %arg0, %eq3A_320 : i32
      %convert_element_type3A_322 = arith.extui %eq3A_321 : i1 to i32
      %cond3A_323 = arith.constant 0 : i32
      %cond3A_324 = arith.cmpi ne, %convert_element_type3A_322, %cond3A_323 : i32
      scf.if %cond3A_324 {
        %dma_start3A_325 = arith.constant 0 : i32
        %dma_start3A_326 = tpu.memref_slice %arg12[%add3A_206, %dma_start3A_325] : memref<250x80xi32, #tpu.memory_space<vmem>> -> memref<1x80xi32, #tpu.memory_space<vmem>>
        %dma_start3A_327 = tpu.memref_squeeze %dma_start3A_326 : memref<1x80xi32, #tpu.memory_space<vmem>> -> memref<80xi32, #tpu.memory_space<vmem>>
        %dma_start3A_328 = arith.constant 0 : i32
        %dma_start3A_329 = tpu.memref_slice %arg19[%dma_start3A_328] : memref<10240xf32, #tpu.memory_space<vmem_shared>> -> memref<10240xf32, #tpu.memory_space<vmem_shared>>
        tpu.enqueue_indirect_dma source(%arg16 : memref<80xf32, #tpu.memory_space<vmem>>) target(%dma_start3A_329 : memref<10240xf32, #tpu.memory_space<vmem_shared>>) offsets(%dma_start3A_327 : memref<80xi32, #tpu.memory_space<vmem>>) semaphore(%arg25 : memref<!tpu.dma_semaphore, #tpu.memory_space<semaphore_mem>>) {add = true}
      } else {
      }
    }
    %scan3A_55 = arith.constant 125 : i32
    %dma_wait3A = arith.constant 248 : i32
    %dma_wait3A_56 = arith.constant 0 : i32
    %dma_wait3A_57 = tpu.memref_slice %arg12[%dma_wait3A, %dma_wait3A_56] : memref<250x80xi32, #tpu.memory_space<vmem>> -> memref<1x80xi32, #tpu.memory_space<vmem>>
    %dma_wait3A_58 = tpu.memref_squeeze %dma_wait3A_57 : memref<1x80xi32, #tpu.memory_space<vmem>> -> memref<80xi32, #tpu.memory_space<vmem>>
    %dma_wait3A_59 = arith.constant 0 : i32
    %dma_wait3A_60 = arith.constant 0 : i32
    %dma_wait3A_61 = tpu.memref_slice %arg18[%dma_wait3A_59, %dma_wait3A_60] : memref<10240x64xf32, #tpu.memory_space<vmem_shared>> -> memref<10240x64xf32, #tpu.memory_space<vmem_shared>>
    tpu.wait_indirect_dma semaphore(%arg22 : memref<!tpu.dma_semaphore, #tpu.memory_space<semaphore_mem>>) src(%arg13 : memref<80x64xf32, #tpu.memory_space<vmem>>) dst(%dma_wait3A_61 : memref<10240x64xf32, #tpu.memory_space<vmem_shared>>)
    %eq3A = arith.constant 0 : i32
    %eq3A_62 = arith.cmpi eq, %arg0, %eq3A : i32
    %convert_element_type3A = arith.extui %eq3A_62 : i1 to i32
    %cond3A = arith.constant 0 : i32
    %cond3A_63 = arith.cmpi ne, %convert_element_type3A, %cond3A : i32
    scf.if %cond3A_63 {
      %dma_wait3A_86 = arith.constant 248 : i32
      %dma_wait3A_87 = arith.constant 0 : i32
      %dma_wait3A_88 = tpu.memref_slice %arg12[%dma_wait3A_86, %dma_wait3A_87] : memref<250x80xi32, #tpu.memory_space<vmem>> -> memref<1x80xi32, #tpu.memory_space<vmem>>
      %dma_wait3A_89 = tpu.memref_squeeze %dma_wait3A_88 : memref<1x80xi32, #tpu.memory_space<vmem>> -> memref<80xi32, #tpu.memory_space<vmem>>
      %dma_wait3A_90 = arith.constant 0 : i32
      %dma_wait3A_91 = tpu.memref_slice %arg19[%dma_wait3A_90] : memref<10240xf32, #tpu.memory_space<vmem_shared>> -> memref<10240xf32, #tpu.memory_space<vmem_shared>>
      tpu.wait_indirect_dma semaphore(%arg24 : memref<!tpu.dma_semaphore, #tpu.memory_space<semaphore_mem>>) src(%arg15 : memref<80xf32, #tpu.memory_space<vmem>>) dst(%dma_wait3A_91 : memref<10240xf32, #tpu.memory_space<vmem_shared>>)
    } else {
    }
    %dma_wait3A_64 = arith.constant 249 : i32
    %dma_wait3A_65 = arith.constant 0 : i32
    %dma_wait3A_66 = tpu.memref_slice %arg12[%dma_wait3A_64, %dma_wait3A_65] : memref<250x80xi32, #tpu.memory_space<vmem>> -> memref<1x80xi32, #tpu.memory_space<vmem>>
    %dma_wait3A_67 = tpu.memref_squeeze %dma_wait3A_66 : memref<1x80xi32, #tpu.memory_space<vmem>> -> memref<80xi32, #tpu.memory_space<vmem>>
    %dma_wait3A_68 = arith.constant 0 : i32
    %dma_wait3A_69 = arith.constant 0 : i32
    %dma_wait3A_70 = tpu.memref_slice %arg18[%dma_wait3A_68, %dma_wait3A_69] : memref<10240x64xf32, #tpu.memory_space<vmem_shared>> -> memref<10240x64xf32, #tpu.memory_space<vmem_shared>>
    tpu.wait_indirect_dma semaphore(%arg23 : memref<!tpu.dma_semaphore, #tpu.memory_space<semaphore_mem>>) src(%arg14 : memref<80x64xf32, #tpu.memory_space<vmem>>) dst(%dma_wait3A_70 : memref<10240x64xf32, #tpu.memory_space<vmem_shared>>)
    %eq3A_71 = arith.constant 0 : i32
    %eq3A_72 = arith.cmpi eq, %arg0, %eq3A_71 : i32
    %convert_element_type3A_73 = arith.extui %eq3A_72 : i1 to i32
    %cond3A_74 = arith.constant 0 : i32
    %cond3A_75 = arith.cmpi ne, %convert_element_type3A_73, %cond3A_74 : i32
    scf.if %cond3A_75 {
      %dma_wait3A_86 = arith.constant 249 : i32
      %dma_wait3A_87 = arith.constant 0 : i32
      %dma_wait3A_88 = tpu.memref_slice %arg12[%dma_wait3A_86, %dma_wait3A_87] : memref<250x80xi32, #tpu.memory_space<vmem>> -> memref<1x80xi32, #tpu.memory_space<vmem>>
      %dma_wait3A_89 = tpu.memref_squeeze %dma_wait3A_88 : memref<1x80xi32, #tpu.memory_space<vmem>> -> memref<80xi32, #tpu.memory_space<vmem>>
      %dma_wait3A_90 = arith.constant 0 : i32
      %dma_wait3A_91 = tpu.memref_slice %arg19[%dma_wait3A_90] : memref<10240xf32, #tpu.memory_space<vmem_shared>> -> memref<10240xf32, #tpu.memory_space<vmem_shared>>
      tpu.wait_indirect_dma semaphore(%arg25 : memref<!tpu.dma_semaphore, #tpu.memory_space<semaphore_mem>>) src(%arg16 : memref<80xf32, #tpu.memory_space<vmem>>) dst(%dma_wait3A_91 : memref<10240xf32, #tpu.memory_space<vmem_shared>>)
    } else {
    }
    %barrier3A_76 = arith.constant 0 : index
    tpu.barrier barrier_id(%barrier3A_76)
    %mul3A_77 = arith.constant 640 : i32
    %mul3A_78 = arith.muli %arg1, %mul3A_77 : i32
    %mul3A_79 = arith.constant 640 : i32
    %mul3A_80 = arith.muli %arg1, %mul3A_79 : i32
    "tpu.region"() ({
      %run_scoped3A = tpu.sem_alloc : memref<!tpu.dma_semaphore, #tpu.memory_space<semaphore_mem>>
      %dma_start3A_86 = arith.constant 0 : i32
      %dma_start3A_87 = arith.constant 0 : i32
      %dma_start3A_88 = tpu.memref_slice %arg7[%arg0, %dma_start3A_86, %dma_start3A_87] : memref<2x10240x64xf32, #tpu.memory_space<hbm>> -> memref<1x10240x64xf32, #tpu.memory_space<hbm>>
      %dma_start3A_89 = tpu.memref_squeeze %dma_start3A_88 : memref<1x10240x64xf32, #tpu.memory_space<hbm>> -> memref<10240x64xf32, #tpu.memory_space<hbm>>
      %dma_start3A_90 = arith.constant 0 : i32
      %dma_start3A_91 = tpu.memref_slice %dma_start3A_89[%mul3A_80, %dma_start3A_90] : memref<10240x64xf32, #tpu.memory_space<hbm>> -> memref<640x64xf32, #tpu.memory_space<hbm>>
      %dma_start3A_92 = arith.constant 0 : i32
      %dma_start3A_93 = tpu.memref_slice %arg18[%mul3A_78, %dma_start3A_92] : memref<10240x64xf32, #tpu.memory_space<vmem_shared>> -> memref<640x64xf32, #tpu.memory_space<vmem_shared>>
      tpu.enqueue_dma source(%dma_start3A_93 : memref<640x64xf32, #tpu.memory_space<vmem_shared>>) target(%dma_start3A_91 : memref<640x64xf32, #tpu.memory_space<hbm>>) target_semaphore(%run_scoped3A : memref<!tpu.dma_semaphore, #tpu.memory_space<semaphore_mem>>)
      %dma_wait3A_94 = arith.constant 0 : i32
      %dma_wait3A_95 = arith.constant 0 : i32
      %dma_wait3A_96 = tpu.memref_slice %arg7[%arg0, %dma_wait3A_94, %dma_wait3A_95] : memref<2x10240x64xf32, #tpu.memory_space<hbm>> -> memref<1x10240x64xf32, #tpu.memory_space<hbm>>
      %dma_wait3A_97 = tpu.memref_squeeze %dma_wait3A_96 : memref<1x10240x64xf32, #tpu.memory_space<hbm>> -> memref<10240x64xf32, #tpu.memory_space<hbm>>
      %dma_wait3A_98 = arith.constant 0 : i32
      %dma_wait3A_99 = tpu.memref_slice %dma_wait3A_97[%mul3A_80, %dma_wait3A_98] : memref<10240x64xf32, #tpu.memory_space<hbm>> -> memref<640x64xf32, #tpu.memory_space<hbm>>
      %dma_wait3A_100 = arith.constant 0 : i32
      %dma_wait3A_101 = tpu.memref_slice %arg18[%mul3A_78, %dma_wait3A_100] : memref<10240x64xf32, #tpu.memory_space<vmem_shared>> -> memref<640x64xf32, #tpu.memory_space<vmem_shared>>
      tpu.wait_dma2 semaphore(%run_scoped3A : memref<!tpu.dma_semaphore, #tpu.memory_space<semaphore_mem>>) src(%dma_wait3A_101 : memref<640x64xf32, #tpu.memory_space<vmem_shared>>) dst(%dma_wait3A_99 : memref<640x64xf32, #tpu.memory_space<hbm>>)
      tpu.yield
    }) : () -> ()
    %eq3A_81 = arith.constant 0 : i32
    %eq3A_82 = arith.cmpi eq, %arg0, %eq3A_81 : i32
    %convert_element_type3A_83 = arith.extui %eq3A_82 : i1 to i32
    %cond3A_84 = arith.constant 0 : i32
    %cond3A_85 = arith.cmpi ne, %convert_element_type3A_83, %cond3A_84 : i32
    scf.if %cond3A_85 {
      %mul3A_86 = arith.constant 640 : i32
      %mul3A_87 = arith.muli %arg1, %mul3A_86 : i32
      %mul3A_88 = arith.constant 640 : i32
      %mul3A_89 = arith.muli %arg1, %mul3A_88 : i32
      "tpu.region"() ({
        %run_scoped3A = tpu.sem_alloc : memref<!tpu.dma_semaphore, #tpu.memory_space<semaphore_mem>>
        %dma_start3A_90 = tpu.memref_slice %arg8[%mul3A_89] : memref<10240xf32, #tpu.memory_space<hbm>> -> memref<640xf32, #tpu.memory_space<hbm>>
        %dma_start3A_91 = tpu.memref_slice %arg19[%mul3A_87] : memref<10240xf32, #tpu.memory_space<vmem_shared>> -> memref<640xf32, #tpu.memory_space<vmem_shared>>
        tpu.enqueue_dma source(%dma_start3A_91 : memref<640xf32, #tpu.memory_space<vmem_shared>>) target(%dma_start3A_90 : memref<640xf32, #tpu.memory_space<hbm>>) target_semaphore(%run_scoped3A : memref<!tpu.dma_semaphore, #tpu.memory_space<semaphore_mem>>)
        %dma_wait3A_92 = tpu.memref_slice %arg8[%mul3A_89] : memref<10240xf32, #tpu.memory_space<hbm>> -> memref<640xf32, #tpu.memory_space<hbm>>
        %dma_wait3A_93 = tpu.memref_slice %arg19[%mul3A_87] : memref<10240xf32, #tpu.memory_space<vmem_shared>> -> memref<640xf32, #tpu.memory_space<vmem_shared>>
        tpu.wait_dma2 semaphore(%run_scoped3A : memref<!tpu.dma_semaphore, #tpu.memory_space<semaphore_mem>>) src(%dma_wait3A_93 : memref<640xf32, #tpu.memory_space<vmem_shared>>) dst(%dma_wait3A_92 : memref<640xf32, #tpu.memory_space<hbm>>)
        tpu.yield
      }) : () -> ()
    } else {
    }
    return
  }
}

module attributes {stable_mosaic.version = 14 : i64} {
  func.func @_proj_body(%arg0: i32, %arg1: memref<1024x128xf32, #tpu.memory_space<vmem>>, %arg2: memref<128x128xf32, #tpu.memory_space<vmem>>, %arg3: memref<1x128xf32, #tpu.memory_space<vmem>>, %arg4: memref<1x128xf32, #tpu.memory_space<vmem>>, %arg5: memref<1024x128xf32, #tpu.memory_space<vmem>>, %arg6: memref<1024x1xf32, #tpu.memory_space<vmem>>, %arg7: memref<1024x1xf32, #tpu.memory_space<vmem>>) attributes {dimension_semantics = [#tpu.dimension_semantics<arbitrary>], iteration_bounds = array<i64: 10>, scalar_prefetch = 0 : i64, scratch_operands = 0 : i64, tpu.core_type = #tpu.core_type<tc>, window_params = [{transform_indices = @transform_0, window_bounds = array<i64: 1024, 128>}, {pipeline_mode = #tpu.pipeline_mode<synchronous>, transform_indices = @transform_1, window_bounds = array<i64: 128, 128>}, {pipeline_mode = #tpu.pipeline_mode<synchronous>, transform_indices = @transform_2, window_bounds = array<i64: 1, 128>}, {pipeline_mode = #tpu.pipeline_mode<synchronous>, transform_indices = @transform_3, window_bounds = array<i64: 1, 128>}, {transform_indices = @transform_4, window_bounds = array<i64: 1024, 128>}, {transform_indices = @transform_5, window_bounds = array<i64: 1024, 1>}, {transform_indices = @transform_6, window_bounds = array<i64: 1024, 1>}]} {
    %get3A = arith.constant 0 : index
    %get3A_0 = arith.constant 0 : index
    %get3A_1 = vector.load %arg1[%get3A, %get3A_0] : memref<1024x128xf32, #tpu.memory_space<vmem>>, vector<1024x128xf32>
    %get3A_2 = arith.constant 0 : index
    %get3A_3 = arith.constant 0 : index
    %get3A_4 = vector.load %arg2[%get3A_2, %get3A_3] : memref<128x128xf32, #tpu.memory_space<vmem>>, vector<128x128xf32>
    %dot_general3A = arith.constant dense<0.000000e+00> : vector<1024x128xf32>
    %dot_general3A_5 = tpu.matmul %get3A_1, %get3A_4, %dot_general3A {dimension_numbers = #tpu.dot_dimension_numbers<[1], [0], [0], [1], [0, 0, 1, 1], [], []>, transpose_lhs_hint = false} : vector<1024x128xf32>, vector<128x128xf32>, vector<1024x128xf32> -> vector<1024x128xf32>
    %swap3A = arith.constant 0 : index
    %swap3A_6 = arith.constant 0 : index
    %swap3A_7 = vector.load %arg5[%swap3A, %swap3A_6] : memref<1024x128xf32, #tpu.memory_space<vmem>>, vector<1024x128xf32>
    tpu.vector_store %arg5[%swap3A, %swap3A_6], %dot_general3A_5 {strides = array<i32>} : memref<1024x128xf32, #tpu.memory_space<vmem>>, vector<1024x128xf32>,
    %get3A_8 = arith.constant 0 : index
    %get3A_9 = arith.constant 0 : index
    %get3A_10 = vector.load %arg3[%get3A_8, %get3A_9] : memref<1x128xf32, #tpu.memory_space<vmem>>, vector<1x128xf32>
    %mul3A = vector.broadcast %get3A_10 : vector<1x128xf32> to vector<1024x128xf32>
    %mul3A_11 = arith.mulf %dot_general3A_5, %mul3A : vector<1024x128xf32>
    %reduce_sum3A = arith.constant dense<0.000000e+00> : vector<1024xf32>
    %reduce_sum3A_12 = vector.multi_reduction <add>, %mul3A_11, %reduce_sum3A [1] : vector<1024x128xf32> to vector<1024xf32>
    %broadcast_in_dim3A = vector.shape_cast %reduce_sum3A_12 : vector<1024xf32> to vector<1024x1xf32>
    %swap3A_13 = arith.constant 0 : index
    %swap3A_14 = arith.constant 0 : index
    %swap3A_15 = vector.load %arg6[%swap3A_13, %swap3A_14] : memref<1024x1xf32, #tpu.memory_space<vmem>>, vector<1024x1xf32>
    tpu.vector_store %arg6[%swap3A_13, %swap3A_14], %broadcast_in_dim3A {strides = array<i32>} : memref<1024x1xf32, #tpu.memory_space<vmem>>, vector<1024x1xf32>,
    %get3A_16 = arith.constant 0 : index
    %get3A_17 = arith.constant 0 : index
    %get3A_18 = vector.load %arg4[%get3A_16, %get3A_17] : memref<1x128xf32, #tpu.memory_space<vmem>>, vector<1x128xf32>
    %mul3A_19 = vector.broadcast %get3A_18 : vector<1x128xf32> to vector<1024x128xf32>
    %mul3A_20 = arith.mulf %dot_general3A_5, %mul3A_19 : vector<1024x128xf32>
    %reduce_sum3A_21 = arith.constant dense<0.000000e+00> : vector<1024xf32>
    %reduce_sum3A_22 = vector.multi_reduction <add>, %mul3A_20, %reduce_sum3A_21 [1] : vector<1024x128xf32> to vector<1024xf32>
    %broadcast_in_dim3A_23 = vector.shape_cast %reduce_sum3A_22 : vector<1024xf32> to vector<1024x1xf32>
    %swap3A_24 = arith.constant 0 : index
    %swap3A_25 = arith.constant 0 : index
    %swap3A_26 = vector.load %arg7[%swap3A_24, %swap3A_25] : memref<1024x1xf32, #tpu.memory_space<vmem>>, vector<1024x1xf32>
    tpu.vector_store %arg7[%swap3A_24, %swap3A_25], %broadcast_in_dim3A_23 {strides = array<i32>} : memref<1024x1xf32, #tpu.memory_space<vmem>>, vector<1024x1xf32>,
    return
  }
  func.func @transform_0(%arg0: i32) -> (i32, i32) {
    %c0_i32 = arith.constant 0 : i32
    %c0_i32_0 = arith.constant 0 : i32
    return %arg0, %c0_i32 : i32, i32
  }
  func.func @transform_1(%arg0: i32) -> (i32, i32) {
    %c0_i32 = arith.constant 0 : i32
    %c0_i32_0 = arith.constant 0 : i32
    %c0_i32_1 = arith.constant 0 : i32
    return %c0_i32, %c0_i32_0 : i32, i32
  }
  func.func @transform_2(%arg0: i32) -> (i32, i32) {
    %c0_i32 = arith.constant 0 : i32
    %c0_i32_0 = arith.constant 0 : i32
    %c0_i32_1 = arith.constant 0 : i32
    return %c0_i32, %c0_i32_0 : i32, i32
  }
  func.func @transform_3(%arg0: i32) -> (i32, i32) {
    %c0_i32 = arith.constant 0 : i32
    %c0_i32_0 = arith.constant 0 : i32
    %c0_i32_1 = arith.constant 0 : i32
    return %c0_i32, %c0_i32_0 : i32, i32
  }
  func.func @transform_4(%arg0: i32) -> (i32, i32) {
    %c0_i32 = arith.constant 0 : i32
    %c0_i32_0 = arith.constant 0 : i32
    return %arg0, %c0_i32 : i32, i32
  }
  func.func @transform_5(%arg0: i32) -> (i32, i32) {
    %c0_i32 = arith.constant 0 : i32
    %c0_i32_0 = arith.constant 0 : i32
    return %arg0, %c0_i32 : i32, i32
  }
  func.func @transform_6(%arg0: i32) -> (i32, i32) {
    %c0_i32 = arith.constant 0 : i32
    %c0_i32_0 = arith.constant 0 : i32
    return %arg0, %c0_i32 : i32, i32
  }
}

module attributes {stable_mosaic.version = 14 : i64} {
  func.func @_final_body(%arg0: i32, %arg1: memref<1x1024x64xf32, #tpu.memory_space<vmem>>, %arg2: memref<1x1024x64xf32, #tpu.memory_space<vmem>>, %arg3: memref<1024x1xf32, #tpu.memory_space<vmem>>, %arg4: memref<1x128xf32, #tpu.memory_space<vmem>>, %arg5: memref<1024x128xf32, #tpu.memory_space<vmem>>) attributes {dimension_semantics = [#tpu.dimension_semantics<arbitrary>], iteration_bounds = array<i64: 10>, scalar_prefetch = 0 : i64, scratch_operands = 0 : i64, tpu.core_type = #tpu.core_type<tc>, window_params = [{transform_indices = @transform_0, window_bounds = array<i64: 1, 1024, 64>}, {transform_indices = @transform_1, window_bounds = array<i64: 1, 1024, 64>}, {transform_indices = @transform_2, window_bounds = array<i64: 1024, 1>}, {pipeline_mode = #tpu.pipeline_mode<synchronous>, transform_indices = @transform_3, window_bounds = array<i64: 1, 128>}, {transform_indices = @transform_4, window_bounds = array<i64: 1024, 128>}]} {
    %get3A = arith.constant 0 : index
    %get3A_0 = arith.constant 0 : index
    %get3A_1 = vector.load %arg3[%get3A, %get3A_0] : memref<1024x1xf32, #tpu.memory_space<vmem>>, vector<1024x1xf32>
    %add3A = arith.constant 1.000000e-16 : f32
    %add3A_2 = vector.broadcast %add3A : f32 to vector<1024x1xf32>
    %add3A_3 = arith.addf %get3A_1, %add3A_2 : vector<1024x1xf32>
    %get3A_4 = arith.constant 0 : index
    %get3A_5 = arith.constant 0 : index
    %get3A_6 = arith.constant 0 : index
    %get3A_7 = vector.load %arg1[%get3A_4, %get3A_5, %get3A_6] : memref<1x1024x64xf32, #tpu.memory_space<vmem>>, vector<1x1024x64xf32>
    %get3A_8 = vector.shape_cast %get3A_7 : vector<1x1024x64xf32> to vector<1024x64xf32>
    %div3A = vector.broadcast %add3A_3 : vector<1024x1xf32> to vector<1024x64xf32>
    %div3A_9 = arith.divf %get3A_8, %div3A : vector<1024x64xf32>
    %get3A_10 = arith.constant 0 : index
    %get3A_11 = arith.constant 0 : index
    %get3A_12 = vector.load %arg4[%get3A_10, %get3A_11] : memref<1x128xf32, #tpu.memory_space<vmem>>, vector<1x64xf32>
    %add3A_13 = vector.broadcast %get3A_12 : vector<1x64xf32> to vector<1024x64xf32>
    %add3A_14 = arith.addf %div3A_9, %add3A_13 : vector<1024x64xf32>
    %get3A_15 = arith.constant 0 : index
    %get3A_16 = arith.constant 0 : index
    %get3A_17 = arith.constant 0 : index
    %get3A_18 = vector.load %arg2[%get3A_15, %get3A_16, %get3A_17] : memref<1x1024x64xf32, #tpu.memory_space<vmem>>, vector<1x1024x64xf32>
    %get3A_19 = vector.shape_cast %get3A_18 : vector<1x1024x64xf32> to vector<1024x64xf32>
    %div3A_20 = vector.broadcast %add3A_3 : vector<1024x1xf32> to vector<1024x64xf32>
    %div3A_21 = arith.divf %get3A_19, %div3A_20 : vector<1024x64xf32>
    %get3A_22 = arith.constant 0 : index
    %get3A_23 = arith.constant 64 : index
    %get3A_24 = vector.load %arg4[%get3A_22, %get3A_23] : memref<1x128xf32, #tpu.memory_space<vmem>>, vector<1x64xf32>
    %add3A_25 = vector.broadcast %get3A_24 : vector<1x64xf32> to vector<1024x64xf32>
    %add3A_26 = arith.addf %div3A_21, %add3A_25 : vector<1024x64xf32>
    %concatenate3A = tpu.concatenate %add3A_14, %add3A_26 in 1 : vector<1024x64xf32>, vector<1024x64xf32> -> vector<1024x128xf32>
    %gt3A = arith.constant 0.000000e+00 : f32
    %gt3A_27 = vector.broadcast %gt3A : f32 to vector<1024x128xf32>
    %gt3A_28 = arith.cmpf ogt, %concatenate3A, %gt3A_27 : vector<1024x128xf32>
    %min3A = arith.constant 0.000000e+00 : f32
    %min3A_29 = vector.broadcast %min3A : f32 to vector<1024x128xf32>
    %min3A_30 = arith.minimumf %concatenate3A, %min3A_29 : vector<1024x128xf32>
    %exp3A = math.exp %min3A_30 : vector<1024x128xf32>
    %sub3A = arith.constant 1.000000e+00 : f32
    %sub3A_31 = vector.broadcast %sub3A : f32 to vector<1024x128xf32>
    %sub3A_32 = arith.subf %exp3A, %sub3A_31 : vector<1024x128xf32>
    %select_n3A = arith.select %gt3A_28, %concatenate3A, %sub3A_32 : vector<1024x128xi1>, vector<1024x128xf32>
    %swap3A = arith.constant 0 : index
    %swap3A_33 = arith.constant 0 : index
    %swap3A_34 = vector.load %arg5[%swap3A, %swap3A_33] : memref<1024x128xf32, #tpu.memory_space<vmem>>, vector<1024x128xf32>
    tpu.vector_store %arg5[%swap3A, %swap3A_33], %select_n3A {strides = array<i32>} : memref<1024x128xf32, #tpu.memory_space<vmem>>, vector<1024x128xf32>,
    return
  }
  func.func @transform_0(%arg0: i32) -> (i32, i32, i32) {
    %c0_i32 = arith.constant 0 : i32
    %c0_i32_0 = arith.constant 0 : i32
    %c0_i32_1 = arith.constant 0 : i32
    return %c0_i32, %arg0, %c0_i32_0 : i32, i32, i32
  }
  func.func @transform_1(%arg0: i32) -> (i32, i32, i32) {
    %c1_i32 = arith.constant 1 : i32
    %c0_i32 = arith.constant 0 : i32
    %c0_i32_0 = arith.constant 0 : i32
    return %c1_i32, %arg0, %c0_i32 : i32, i32, i32
  }
  func.func @transform_2(%arg0: i32) -> (i32, i32) {
    %c0_i32 = arith.constant 0 : i32
    %c0_i32_0 = arith.constant 0 : i32
    return %arg0, %c0_i32 : i32, i32
  }
  func.func @transform_3(%arg0: i32) -> (i32, i32) {
    %c0_i32 = arith.constant 0 : i32
    %c0_i32_0 = arith.constant 0 : i32
    %c0_i32_1 = arith.constant 0 : i32
    return %c0_i32, %c0_i32_0 : i32, i32
  }
  func.func @transform_4(%arg0: i32) -> (i32, i32) {
    %c0_i32 = arith.constant 0 : i32
    %c0_i32_0 = arith.constant 0 : i32
    return %arg0, %c0_i32 : i32, i32
  }
}

</mosaic_0001>

<sc_bundles>
// kernel: kernel.5.cloned.1.call-start
scs
__scs_entry_jumppad:
0x0: {  	(pc) =	sbr.rel $0x88, $3  }
0x1: {  	(tag) =	ssettag $0x0;
	lr =	simm.s32 $0x1  }
0x2: {  	[smem:$0x3F9B] =	sst lr;
	_ =	strace $0xD0000000  }
0x3: {  	_ = 	snop  }
0x4: {  	_ = 	snop  }
0x5: {  	_ = 	snop  }
0x6: {  	_ = 	snop  }
0x7: {  	_ = 	snop  }
__scs_overlays_trampoline_lowered:
0x8: {  	[smem:$0x3FAA] =	sst s0  }
0x9: {  	[smem:$0x3FAB] =	sst s1  }
0xa: {  	[smem:$0x3FAC] =	sst s2  }
0xb: {  	[smem:$0x3FAD] =	sst s3  }
0xc: {  	[smem:$0x3FAE] =	sst s4  }
0xd: {  	[smem:$0x3FAF] =	sst s5  }
0xe: {  	[smem:$0x3FB0] =	sst s6  }
0xf: {  	[smem:$0x3FB1] =	sst s7  }
0x10: {  	[smem:$0x3FB2] =	sst s8  }
0x11: {  	[smem:$0x3FB3] =	sst s9;
	s0 =	simm.s32 @!p0 $0x0  }
0x12: {  	s1 =	sld [smem:$0x3F99];
	s0 =	simm.s32 @p0 $0x1  }
0x13: {  	[smem:$0x3FB4] =	sst s0;
	s0 =	simm.s32 @!p1 $0x0  }
0x14: {  	s2 =	sld [smem:$0x3F98];
	s0 =	simm.s32 @p1 $0x1  }
0x15: {  	[smem:$0x3FB5] =	sst s0;
	s0 =	simm.s32 @!p2 $0x0  }
0x16: {  	s3 =	sld [smem:$0x3FDB];
	s0 =	simm.s32 @p2 $0x1  }
0x17: {  	s4 =	simm.s32 $0x1BF5;
	[smem:$0x3FB7] =	sst s0  }
0x18: {  	s0 =	sld [smem:$0x3F9A];
	_ =	swait.ge [sflag:s4], $0x0  }
0x19: {  	s7 =	sld [smem:$0x3F9B]  }
0x1a: {  	s8 =	sadd.s32 $0xFFFFE003, lr  }
0x1b: {  	s9 =	sadd.s32 $0xFFFFFEF7, lr;
	s5 =	simm.s32 $0xFFFFFFFF;
	p2 =	slt.u32 s8, $0xFFFFF086  }
0x1c: {  	p1 =	slt.u32 s9, $0xF7A;
	s5 =	simm.s32 @!p2 $0x0  }
0x1d: {  	s5 =	simm.s32 @p1 $0x1;
	p0 =	seq.s32 s7, s2  }
0x1e: {  	s7 =	smul.u32 @!p0 $0xF7A, s2;
	p2 =	seq.s32 @!p0 s5, $0x0  }
0x1f: {  	s9 =	smul.u32 $0xF7A, s1;
	s8 =	simm.s32 @!p0 $0x1BF5;
	p2 =	por !p2, p0  }
0x20: {  	[sflag:s8] =	ssyncset.s32 @!p0 $0xFFFFF086;
	s6 =	sadd.s32 @!p0 s3, s7;
	s7 =	simm.s32 @!p0 $0x108  }
0x21: {  	s3 =	sadd.s32 s3, s9;
	s6 =	sadd.s32 @!p0 $0x88, s6;
	s7 =	simm.s32 @p2 $0x1082  }
0x22: {  	[simem:s7], [sflag:s8] =	dma.local @!p0 [hbm:s6], $0xF7A  }
0x23: {  	s9 =	sor.u32 $0xD0000000, s2;
	s6 =	simm.s32 $0x108;
	_ =	swait.ge @!p0 [sflag:s8], $0x0  }
0x24: {  	s3 =	sadd.s32 $0x88, s3;
	s6 =	simm.s32 @!p1 $0x1082;
	[sflag:s4] =	ssyncset.s32 $0xFFFFF086  }
0x25: {  	[simem:s6], [sflag:s4] =	dma.local [hbm:s3], $0xF7A  }
0x26: {  	[smem:$0x3F9B] =	sst s1;
	(tag) =	ssettag s2;
	_ =	strace s9  }
0x27: {  	s1 =	sld [smem:$0x3FAB]  }
0x28: {  	s2 =	sld [smem:$0x3FAC]  }
0x29: {  	s4 =	sld [smem:$0x3FAE]  }
0x2a: {  	p0 =	seq.s32 s5, $0x0;
	s5 =	sld [smem:$0x3FAF]  }
0x2b: {  	s6 =	sld [smem:$0x3FB0]  }
0x2c: {  	s7 =	sld [smem:$0x3FB1]  }
0x2d: {  	s3 =	simm.s32 $0x108;
	s8 =	sld [smem:$0x3FB2]  }
0x2e: {  	s3 =	simm.s32 @!p0 $0x1082;
	s9 =	sld [smem:$0x3FB3]  }
0x2f: {  	lr =	sadd.s32 s0, s3;
	s0 =	sld [smem:$0x3FAA]  }
0x30: {  	s3 =	sld [smem:$0x3FAD]  }
0x31: {  	[smem:$0x3FB6] =	sst s10  }
0x32: {  	s10 =	sld [smem:$0x3FB4];
	_ =	sdelay $0x3  }
0x33: {  	p0 =	seq.s32 s10, $0x1;
	s10 =	sld [smem:$0x3FB6];
	_ =	sdelay $0x3  }
0x34: {  	[smem:$0x3FB6] =	sst s10  }
0x35: {  	s10 =	sld [smem:$0x3FB5];
	_ =	sdelay $0x3  }
0x36: {  	p1 =	seq.s32 s10, $0x1;
	s10 =	sld [smem:$0x3FB6];
	_ =	sdelay $0x3  }
0x37: {  	[smem:$0x3FB6] =	sst s10  }
0x38: {  	s10 =	sld [smem:$0x3FB7]  }
0x39: {  	_ = 	snop;
	(pc) =	sbr.ind lr, $3  }
0x3a: {  	_ = 	snop  }
0x3b: {  	_ = 	snop  }
0x3c: {  	p2 =	seq.s32 s10, $0x1;
	s10 =	sld [smem:$0x3FB6]  }
0x3d: {  	_ =	shalt  }
0x3e: {  	_ =	shalt  }
0x3f: {  	_ =	shalt  }
0x40: {  	_ =	shalt  }
0x41: {  	_ =	shalt  }
0x42: {  	_ =	shalt  }
0x43: {  	_ =	shalt  }
0x44: {  	_ =	shalt  }
0x45: {  	_ =	shalt  }
0x46: {  	_ =	shalt  }
0x47: {  	_ =	shalt  }
0x48: {  	_ =	shalt  }
0x49: {  	_ =	shalt  }
0x4a: {  	_ =	shalt  }
0x4b: {  	_ =	shalt  }
0x4c: {  	_ =	shalt  }
0x4d: {  	_ =	shalt  }
0x4e: {  	_ =	shalt  }
0x4f: {  	_ =	shalt  }
0x50: {  	_ =	shalt  }
0x51: {  	_ =	shalt  }
0x52: {  	_ =	shalt  }
0x53: {  	_ =	shalt  }
0x54: {  	_ =	shalt  }
0x55: {  	_ =	shalt  }
0x56: {  	_ =	shalt  }
0x57: {  	_ =	shalt  }
0x58: {  	_ =	shalt  }
0x59: {  	_ =	shalt  }
0x5a: {  	_ =	shalt  }
0x5b: {  	_ =	shalt  }
0x5c: {  	_ =	shalt  }
0x5d: {  	_ =	shalt  }
0x5e: {  	_ =	shalt  }
0x5f: {  	_ =	shalt  }
0x60: {  	_ =	shalt  }
0x61: {  	_ =	shalt  }
0x62: {  	_ =	shalt  }
0x63: {  	_ =	shalt  }
0x64: {  	_ =	shalt  }
0x65: {  	_ =	shalt  }
0x66: {  	_ =	shalt  }
0x67: {  	_ =	shalt  }
0x68: {  	_ =	shalt  }
0x69: {  	_ =	shalt  }
0x6a: {  	_ =	shalt  }
0x6b: {  	_ =	shalt  }
0x6c: {  	_ =	shalt  }
0x6d: {  	_ =	shalt  }
0x6e: {  	_ =	shalt  }
0x6f: {  	_ =	shalt  }
0x70: {  	_ =	shalt  }
0x71: {  	_ =	shalt  }
0x72: {  	_ =	shalt  }
0x73: {  	_ =	shalt  }
0x74: {  	_ =	shalt  }
0x75: {  	_ =	shalt  }
0x76: {  	_ =	shalt  }
0x77: {  	_ =	shalt  }
0x78: {  	_ =	shalt  }
0x79: {  	_ =	shalt  }
0x7a: {  	_ =	shalt  }
0x7b: {  	_ =	shalt  }
0x7c: {  	_ =	shalt  }
0x7d: {  	_ =	shalt  }
0x7e: {  	_ =	shalt  }
0x7f: {  	_ =	shalt  }
0x80: {  	_ =	shalt  }
0x81: {  	_ =	shalt  }
0x82: {  	_ =	shalt  }
0x83: {  	_ =	shalt  }
0x84: {  	_ =	shalt  }
0x85: {  	_ =	shalt  }
0x86: {  	_ =	shalt  }
0x87: {  	_ =	shalt  }
.Lfunc_end0:
.L_simem_size_0:
called_computation_lowered:
.L_overlay_start_0:
0x88: {  	s2 =	sld [smem:$0x3FD9]  }
0x89: {  	s3 =	sld [smem:$0x3FFE];
	_ =	sdelay $0x1  }
0x8a: {  	s1 =	srdreg.scid  }
0x8b: {  	s0 =	sand.u32 $0x1, s1  }
0x8c: {  	s17 =	sshll.u32 s0, $0xA;
	s2 =	sadd.s32 s3, s2  }
0x8d: {  	s2 =	sadd.s32 s2, s17  }
0x8e: {  	[smem:$0x3FC2] =	sst s2  }
0x8f: {  	_ = 	snop  }
0x90: {  	s2 =	sld [smem:$0x3FD0];
	(tm) =	ssettm $0x1  }
0x91: {  	s18 =	sld [smem:$0x3FFB];
	_ =	sdelay $0x3  }
0x92: {  	_ =	strace s18  }
0x93: {  	s3 =	sld [smem:$0x3FFC];
	_ =	sdelay $0x3  }
0x94: {  	_ =	strace s3  }
0x95: {  	s3 =	sld [smem:$0x3FFD];
	_ =	sdelay $0x3  }
0x96: {  	_ =	strace s3  }
0x97: {  	_ =	strace $0x8FFFFFFF  }
0x98: {  	s19 =	sld [smem:$0x3FDB];
	_ =	sdelay $0x1  }
0x99: {  	s4 =	simm.s32 $_scs_section_size  }
0x9a: {  	s5 =	simm.s32 $_size__tile_overlayer_lowered;
	s6 =	simm.s32 $_tile_overlayer_lowered  }
0x9b: {  	s22 =	simm.s32 $0x1BFF;
	s21 =	sshll.u32 s6, $0x1;
	s3 =	sadd.s32 s4, s19  }
0x9c: {  	s7 =	simm.s32 $0x0;
	s20 =	sshll.u32 s5, $0x1;
	s5 =	sadd.s32 s21, s3  }
0x9d: {  	[timem:s7], [sflag:s22] =	dma.local [hbm:s5], s20  }
0x9e: {  	_ =	swait.ge [sflag:s22], s20  }
0x9f: {  	s4 =	ssub.s32 $0x0, s20;
	[sflag:s22] =	ssyncset.done $0x0  }
0xa0: {  	[sflag:s22] =	ssyncadd.s32 s4;
	_ =	sdelay $0x1  }
0xa1: {  	s23 =	simm.s32 $0x1B8B  }
0xa2: {  	_ =	swait.ge [sflag:s23], $0x1  }
0xa3: {  	[sflag:s23] =	ssyncset.done $0x0  }
0xa4: {  	s25 =	simm.s32 $0x1B8E;
	s24 =	sld [smem:$0x3FFE];
	[sflag:s23] =	ssyncadd.s32 $0xFFFFFFFF  }
0xa5: {  	s26 =	simm.s32 $execute0_lowered;
	[smem:$0x3FD2] =	sst s25  }
0xa6: {  	s5 =	sshll.u32 s26, $0x1;
	_ =	strace $0x80000046;
	[dreg:$0x1] =	wrdreg $0xFFFFFFFF  }
0xa7: {  	s28 =	simm.s32 $_size_execute0_lowered;
	s3 =	sadd.s32 s3, s5;
	[dreg:$0x0] =	wrdreg $0x0  }
0xa8: {  	s5 =	sshll.u32 s28, $0x1;
	[dreg:$0x2] =	wrdreg s3  }
0xa9: {  	[dreg:$0x3] =	wrdreg s5  }
0xaa: {  	[dreg:$0x4] =	wrdreg $0xC0  }
0xab: {  	_ =	task [dreg:s7], $0x5FFFF  }
0xac: {  	[dreg:$0x1] =	wrdreg $0xFFFFFFFF  }
0xad: {  	[dreg:$0x0] =	wrdreg $0x60  }
0xae: {  	[dreg:$0x2] =	wrdreg s24  }
0xaf: {  	[dreg:$0x3] =	wrdreg s2  }
0xb0: {  	[dreg:$0x4] =	wrdreg $0x117600  }
0xb1: {  	[dreg:$0x5] =	wrdreg $0x1B7600  }
0xb2: {  	[dreg:$0x6] =	wrdreg $0x9  }
0xb3: {  	_ =	task.clear_ibuf [dreg:s7], $0x7FFFF;
	_ =	strace $0x90000046  }
0xb4: {  	s29 =	simm.s32 $0x9;
	_ =	strace $0x80000048  }
0xb5: {  	_ =	swait.ge [sflag:s29], $0x1  }
0xb6: {  	[sflag:s29] =	ssyncadd.s32 $0xFFFFFFFF  }
0xb7: {  	_ =	strace $0x90000048  }
0xb8: {  	_ =	sfence  }
0xb9: {  	s30 =	sld [smem:$0x0];
	_ =	sdelay $0x2  }
0xba: {  	s31 =	sshll.u32 s1, $0xD;
	s1 =	sshrl.u32 s1, $0x2  }
0xbb: {  	s3 =	sand.u32 $0x4000, s31;
	s1 =	sadd.s32 s1, s30  }
0xbc: {  	s0 =	sor.u32 s3, s0;
	s1 =	sshll.u32 s1, $0x11  }
0xbd: {  	s0 =	sor.u32 s1, s0  }
0xbe: {  	s0 =	sadd.s32 $0x8F2B, s0  }
0xbf: {  	[sflag:s0] =	ssyncadd.remote.s32 $0x1  }
0xc0: {  	_ =	sfence.sel $0xFFFF  }
0xc1: {  	[dreg:$0x0] =	wrdreg $0xFFFFFFFF;
	(pc) =	sbr.abs _section_cstart, $3  }
0xc2: {  	[dreg:$0x1] =	wrdreg $0xFFFFFFFF  }
0xc3: {  	_ =	task.clear_ibuf [dreg:s7], $0x2FFFF;
	_ =	strace $0x9FFFFFFF  }
0xc4: {  	(tm) =	ssettm $0x7FFFFFFF  }
0xc5: {  	_ =	shalt  }
tec
execute0_lowered:
.L_overlay_start_1:
0x0: {  	(tag) =	ssettag $0x1  }
0x1: {  	s0 =	rddreg [dreg:$0x0]  }
0x2: {  	s2 =	rddreg [dreg:$0x1]  }
0x3: {  	s1 =	rddreg [dreg:$0x2]  }
0x4: {  	s3 =	rddreg [dreg:$0x3];
	s4 =	simm.s32 $0x0  }
0x5: {  	s14 =	stileid.u32;
	s6 =	srdreg.scid;
	s29 =	simm.s32 $0x50  }
0x6: {  	s30 =	simm.s32 $0x10040;
	s31 =	simm.s32 $0x1;
	s5 =	smul.u32 $0x9C4, s14  }
0x7: {  	[smem:$0x7FF] =	sst s4;
	s7 =	sadd.s32 $0xA200, s0;
	s25 =	smul.u32 $0x280, s14  }
0x8: {  	s6 =	sand.u32 $0x1, s6;
	s8 =	sadd.s32 $0xA800, s0;
	s12 =	smul.u32 $0x28000, s14  }
0x9: {  	s14 =	smul.u32 $0xA000, s14;
	_ =	strace $0x80000047;
	[dreg:$0x5] =	wrdreg s7  }
0xa: {  	s28 =	simm.s32 $0x11490;
	[dreg:$0x6] =	wrdreg s8;
	s9 =	smul.u32 $0x14000, s6  }
0xb: {  	s11 =	ssub.s32 $0x2, s6;
	p0 =	sne.s32 s6, $0x0;
	s26 =	sadd.s32 s5, s0  }
0xc: {  	s10 =	sshrl.u32 s25, $0x3;
	s18 =	sshrl.u32 s12, $0x2;
	s2 =	sadd.s32 s2, s5  }
0xd: {  	s17 =	sadd.s32 s25, s3;
	s5 =	simm.s32 $0x0;
	s13 =	sadd.s32 s9, s0  }
0xe: {  	s0 =	sadd.s32 s10, s0;
	s10 =	sshrl.u32 s11, $0x1;
	s8 =	sadd.s32 $0x400, s26  }
0xf: {  	[dreg:$0x8] =	wrdreg s2;
	s19 =	sadd.s32 s18, s1;
	s9 =	sadd.s32 s14, s1  }
0x10: {  	s26 =	sshrl.u32 s14, $0x3;
	s2 =	simm.s32 $0x3;
	s10 =	ssub.s32 s11, s10  }
0x11: {  	[dreg:$0x7] =	wrdreg s8;
	s20 =	sadd.s32 $0x1400, s19;
	s21 =	sadd.s32 $0x2800, s19  }
0x12: {  	s22 =	sadd.s32 $0x3C00, s19;
	s23 =	sadd.s32 $0x5000, s19;
	[dreg:$0x9] =	wrdreg s20  }
0x13: {  	s24 =	sadd.s32 $0x6400, s19;
	s15 =	sadd.s32 $0x7800, s19;
	[dreg:$0xa] =	wrdreg s21  }
0x14: {  	s16 =	sadd.s32 $0x8C00, s19;
	s18 =	sadd.s32 $0xAE00, s13;
	[dreg:$0xb] =	wrdreg s22  }
0x15: {  	s25 =	sadd.s32 $0x33400, s13;
	s19 =	sadd.s32 $0x32E00, s0;
	[dreg:$0xc] =	wrdreg s23  }
0x16: {  	s0 =	simm.s32 $0x11440;
	[dreg:$0xd] =	wrdreg s24;
	s20 =	smax.u32 s10, $0x1  }
0x17: {  	s21 =	simm.s32 $0x7;
	s22 =	simm.s32 $0x2800;
	s23 =	simm.s32 $0x5000  }
0x18: {  	v0 =	vimm.f32 $0.0e+00;
	s24 =	sadd.s32 s26, s25;
	s26 =	simm.s32 $0xEC40;
	s25 =	simm.s32 $0x2  }
.LBB2_1:
0x19: {  	s6 =	rddreg [dreg:$0x5]  }
0x1a: {  	[tilespmem:s4], [sflag:$0x7] =	stream.linear.gather [hbm4b:s6+s4], $0x2800, $0x38;
	[tilespmem:$0x1B9E0] =	vst v63  }
0x1b: {  	_ =	swait.ge [sflag:s21], $0x2800  }
0x1c: {  	[sflag:s21] =	ssyncset.done $0x0  }
0x1d: {  	s12 =	rddreg [dreg:$0x6];
	[sflag:s21] =	ssyncadd.s32 $0xFFFFD800  }
0x1e: {  	[tilespmem:s22], [sflag:$0x7] =	stream.linear.gather [hbm4b:s12+s4], $0x2800, $0x38;
	[tilespmem:$0x1B9E0] =	vst v63  }
0x1f: {  	_ =	swait.ge [sflag:s21], $0x2800  }
0x20: {  	[sflag:s21] =	ssyncset.done $0x0  }
0x21: {  	s13 =	rddreg [dreg:$0x7];
	[sflag:s21] =	ssyncadd.s32 $0xFFFFD800  }
0x22: {  	[tilespmem:s23], [sflag:$0x7] =	stream.linear.gather [hbm4b:s13+s4], $0x4E20, $0x38;
	[tilespmem:$0x1B9E0] =	vst v63  }
0x23: {  	_ =	swait.ge [sflag:s21], $0x4E20  }
0x24: {  	[sflag:s21] =	ssyncset.done $0x0  }
0x25: {  	s7 =	simm.s32 $0x9E20;
	s14 =	rddreg [dreg:$0x8];
	[sflag:s21] =	ssyncadd.s32 $0xFFFFB1E0  }
0x26: {  	[tilespmem:s7], [sflag:$0x7] =	stream.linear.gather [hbm4b:s14+s4], $0x4E20, $0x38;
	[tilespmem:$0x1B9E0] =	vst v63  }
0x27: {  	_ =	swait.ge [sflag:s21], $0x4E20  }
0x28: {  	[sflag:s21] =	ssyncset.done $0x0  }
0x29: {  	s6 =	simm.s32 $0x0;
	s7 =	simm.s32 $0x100;
	[sflag:s21] =	ssyncadd.s32 $0xFFFFB1E0  }
.LBB2_2:
0x2a: {  	p1 =	sne.s32 s7, $0x4F00;
	[tilespmem:s6+$0xEC70] =	vst v0;
	s8 =	smov.u32 s7;
	s7 =	sadd.s32 $0x100, s7  }
.Ltmp0:
0x2b: {  	[tilespmem:s6+$0xEC60] =	vst v0;
	(pc) =	sbr.rel @p1 .LBB2_2-.Ltmp0, $3  }
0x2c: {  	[tilespmem:s6+$0xEC40] =	vst v0  }
0x2d: {  	[tilespmem:s6+$0xEC50] =	vst v0;
	_ =	sdelay $0x1  }
0x2e: {  	s6 =	sshra.s32 s8, $0x2  }
0x2f: {  	[tilespmem:s6+$0xEC70] =	vst v0  }
0x30: {  	[tilespmem:s6+$0xEC60] =	vst v0  }
0x31: {  	[tilespmem:s6+$0xEC40] =	vst v0  }
0x32: {  	[tilespmem:s6+$0xEC50] =	vst v0  }
0x33: {  	[tilespmem:$0x114E0] =	vst v0  }
0x34: {  	[tilespmem:$0x114F0] =	vst v0  }
0x35: {  	[tilespmem:$0x11500] =	vst v0  }
0x36: {  	[tilespmem:$0x11510] =	vst v0  }
0x37: {  	[tilespmem:$0x11520] =	vst v0  }
0x38: {  	[tilespmem:$0x11530] =	vst v0  }
0x39: {  	[tilespmem:$0x11540] =	vst v0  }
0x3a: {  	[tilespmem:$0x11550] =	vst v0  }
0x3b: {  	[tilespmem:$0x11560] =	vst v0  }
0x3c: {  	[tilespmem:$0x11570] =	vst v0  }
0x3d: {  	[tilespmem:$0x11580] =	vst v0  }
0x3e: {  	[tilespmem:$0x11590] =	vst v0  }
0x3f: {  	[tilespmem:$0x115A0] =	vst v0  }
0x40: {  	[tilespmem:$0x115B0] =	vst v0  }
0x41: {  	[tilespmem:$0x115C0] =	vst v0  }
0x42: {  	[tilespmem:$0x115D0] =	vst v0  }
0x43: {  	[tilespmem:$0x115E0] =	vst v0  }
0x44: {  	[tilespmem:$0x115F0] =	vst v0  }
0x45: {  	[tilespmem:$0x11600] =	vst v0  }
0x46: {  	[tilespmem:$0x11610] =	vst v0  }
0x47: {  	[tilespmem:$0x11620] =	vst v0  }
0x48: {  	[tilespmem:$0x11630] =	vst v0  }
0x49: {  	[tilespmem:$0x11640] =	vst v0  }
0x4a: {  	[tilespmem:$0x11650] =	vst v0  }
0x4b: {  	[tilespmem:$0x11660] =	vst v0  }
0x4c: {  	[tilespmem:$0x11670] =	vst v0  }
0x4d: {  	[tilespmem:$0x11680] =	vst v0  }
0x4e: {  	[tilespmem:$0x11690] =	vst v0  }
0x4f: {  	[tilespmem:$0x116A0] =	vst v0  }
0x50: {  	[tilespmem:$0x116B0] =	vst v0  }
0x51: {  	[tilespmem:$0x116C0] =	vst v0  }
0x52: {  	[tilespmem:$0x116D0] =	vst v0  }
0x53: {  	[tilespmem:$0x116E0] =	vst v0  }
0x54: {  	[tilespmem:$0x116F0] =	vst v0  }
0x55: {  	[tilespmem:$0x11700] =	vst v0  }
0x56: {  	[tilespmem:$0x11710] =	vst v0  }
0x57: {  	[tilespmem:$0x11720] =	vst v0  }
0x58: {  	[tilespmem:$0x11730] =	vst v0  }
0x59: {  	[tilespmem:$0x11740] =	vst v0  }
0x5a: {  	[tilespmem:$0x11750] =	vst v0  }
0x5b: {  	[spmem:s9] =	stream.linear.scatter [tilespmem:s26], [sflag:$0x7], $0x1400, $0x38;
	[tilespmem:$0x1B9E0] =	vst v63  }
0x5c: {  	_ =	swait.ge [sflag:s21], $0x1400  }
0x5d: {  	[sflag:s21] =	ssyncset.done $0x0  }
0x5e: {  	s8 =	rddreg [dreg:$0x9];
	[sflag:s21] =	ssyncadd.s32 $0xFFFFEC00  }
0x5f: {  	[spmem:s8] =	stream.linear.scatter [tilespmem:s26], [sflag:$0x7], $0x1400, $0x38;
	[tilespmem:$0x1B9E0] =	vst v63  }
0x60: {  	_ =	swait.ge [sflag:s21], $0x1400  }
0x61: {  	[sflag:s21] =	ssyncset.done $0x0  }
0x62: {  	s10 =	rddreg [dreg:$0xa];
	[sflag:s21] =	ssyncadd.s32 $0xFFFFEC00  }
0x63: {  	[spmem:s10] =	stream.linear.scatter [tilespmem:s26], [sflag:$0x7], $0x1400, $0x38;
	[tilespmem:$0x1B9E0] =	vst v63  }
0x64: {  	_ =	swait.ge [sflag:s21], $0x1400  }
0x65: {  	[sflag:s21] =	ssyncset.done $0x0  }
0x66: {  	s11 =	rddreg [dreg:$0xb];
	[sflag:s21] =	ssyncadd.s32 $0xFFFFEC00  }
0x67: {  	[spmem:s11] =	stream.linear.scatter [tilespmem:s26], [sflag:$0x7], $0x1400, $0x38;
	[tilespmem:$0x1B9E0] =	vst v63  }
0x68: {  	_ =	swait.ge [sflag:s21], $0x1400  }
0x69: {  	[sflag:s21] =	ssyncset.done $0x0  }
0x6a: {  	s12 =	rddreg [dreg:$0xc];
	[sflag:s21] =	ssyncadd.s32 $0xFFFFEC00  }
0x6b: {  	[spmem:s12] =	stream.linear.scatter [tilespmem:s26], [sflag:$0x7], $0x1400, $0x38;
	[tilespmem:$0x1B9E0] =	vst v63  }
0x6c: {  	_ =	swait.ge [sflag:s21], $0x1400  }
0x6d: {  	[sflag:s21] =	ssyncset.done $0x0  }
0x6e: {  	s13 =	rddreg [dreg:$0xd];
	[sflag:s21] =	ssyncadd.s32 $0xFFFFEC00  }
0x6f: {  	[spmem:s13] =	stream.linear.scatter [tilespmem:s26], [sflag:$0x7], $0x1400, $0x38;
	[tilespmem:$0x1B9E0] =	vst v63  }
0x70: {  	_ =	swait.ge [sflag:s21], $0x1400  }
0x71: {  	[sflag:s21] =	ssyncset.done $0x0  }
0x72: {  	[sflag:s21] =	ssyncadd.s32 $0xFFFFEC00  }
0x73: {  	[spmem:s15] =	stream.linear.scatter [tilespmem:s26], [sflag:$0x7], $0x1400, $0x38;
	[tilespmem:$0x1B9E0] =	vst v63  }
0x74: {  	_ =	swait.ge [sflag:s21], $0x1400  }
0x75: {  	[sflag:s21] =	ssyncset.done $0x0  }
0x76: {  	[sflag:s21] =	ssyncadd.s32 $0xFFFFEC00  }
0x77: {  	[spmem:s16] =	stream.linear.scatter [tilespmem:s26], [sflag:$0x7], $0x1400, $0x38;
	[tilespmem:$0x1B9E0] =	vst v63  }
0x78: {  	_ =	swait.ge [sflag:s21], $0x1400  }
0x79: {  	[sflag:s21] =	ssyncset.done $0x0  }
0x7a: {  	s14 =	simm.s32 $0x114E0;
	[sflag:s21] =	ssyncadd.s32 $0xFFFFEC00  }
0x7b: {  	[spmem:s17] =	stream.linear.scatter [tilespmem:s14], [sflag:$0x7], $0x280, $0x38;
	[tilespmem:$0x1B9E0] =	vst v63  }
0x7c: {  	_ =	swait.ge [sflag:s21], $0x280  }
0x7d: {  	[sflag:s21] =	ssyncset.done $0x0  }
0x7e: {  	[sflag:s21] =	ssyncadd.s32 $0xFFFFFD80  }
0x7f: {  	s6 =	simm.s32 $0x0;
	s7 =	simm.s32 $0x0;
	[bflag:$0x0] =	sbarrier.arrive $0xFFFF  }
0x80: {  	[tilespmem:s26], [sflag:$0x1] =	stream.indirect.gather [hbm4b:s18+s29], $0x40, s23, s29, $0xb8;
	[tilespmem:$0x1B9E0] =	vst v63  }
.LBB2_4:
0x81: {  	p1 =	seq.s32 @!p0 s7, $0x0  }
0x82: {  	p1 =	por p1, p0  }
0x83: {  	s8 =	simm.s32 @!p1 $0x5  }
0x84: {  	_ =	swait.ge @!p1 [sflag:s8], $0x50  }
0x85: {  	s10 =	smul.u32 $0xA0, s7;
	[sflag:s8] =	ssyncset.done @!p1 $0x0  }
0x86: {  	[sflag:s8] =	ssyncadd.s32 @!p1 $0xFFFFFFB0  }
0x87: {  	v1 =	vld [tilespmem:s10+$0x5000]  }
0x88: {  	v2 =	vld [tilespmem:s10+$0x9E20];
	_ =	sdelay $0x6  }
0x89: {  	v1 =	vld.idx.msk [tilespmem:v1+s4+$0x0], $0xffff  }
0x8a: {  	v2 =	vld.idx.msk [tilespmem:v2+s22+$0x0], $0xffff;
	_ =	sdelay $0x4  }
0x8b: {  	v1 =	vadd.f32 v2, v1;
	_ =	sdelay $0x1  }
0x8c: {  	v2 =	vmul.f32 $2.000000030e-01, v1;
	_ =	sdelay $0x1  }
0x8d: {  	v1 =	vmax.f32 v1, v2  }
0x8e: {  	v1 =	vmul.f32 $1.442695020e+00, v1;
	_ =	sdelay $0x1  }
0x8f: {  	(erf) = vpow2.f32 v1;
	_ =	sdelay $0x8  }
0x90: {  	v1 =	vpop (erf)  }
0x91: {  	[tilespmem:$0x11440] =	vst v1  }
0x92: {  	v1 =	vld [tilespmem:s10+$0x5010]  }
0x93: {  	v2 =	vld [tilespmem:s10+$0x9E30];
	_ =	sdelay $0x6  }
0x94: {  	v1 =	vld.idx.msk [tilespmem:v1+s4+$0x0], $0xffff  }
0x95: {  	v2 =	vld.idx.msk [tilespmem:v2+s22+$0x0], $0xffff;
	_ =	sdelay $0x4  }
0x96: {  	v1 =	vadd.f32 v2, v1;
	_ =	sdelay $0x1  }
0x97: {  	v2 =	vmul.f32 $2.000000030e-01, v1;
	_ =	sdelay $0x1  }
0x98: {  	v1 =	vmax.f32 v1, v2  }
0x99: {  	v1 =	vmul.f32 $1.442695020e+00, v1;
	_ =	sdelay $0x1  }
0x9a: {  	(erf) = vpow2.f32 v1;
	_ =	sdelay $0x8  }
0x9b: {  	v1 =	vpop (erf)  }
0x9c: {  	[tilespmem:$0x11450] =	vst v1  }
0x9d: {  	v1 =	vld [tilespmem:s10+$0x5020]  }
0x9e: {  	v2 =	vld [tilespmem:s10+$0x9E40];
	_ =	sdelay $0x6  }
0x9f: {  	v1 =	vld.idx.msk [tilespmem:v1+s4+$0x0], $0xffff  }
0xa0: {  	v2 =	vld.idx.msk [tilespmem:v2+s22+$0x0], $0xffff;
	_ =	sdelay $0x4  }
0xa1: {  	v1 =	vadd.f32 v2, v1;
	_ =	sdelay $0x1  }
0xa2: {  	v2 =	vmul.f32 $2.000000030e-01, v1;
	_ =	sdelay $0x1  }
0xa3: {  	v1 =	vmax.f32 v1, v2  }
0xa4: {  	v1 =	vmul.f32 $1.442695020e+00, v1;
	_ =	sdelay $0x1  }
0xa5: {  	(erf) = vpow2.f32 v1;
	_ =	sdelay $0x8  }
0xa6: {  	v1 =	vpop (erf)  }
0xa7: {  	[tilespmem:$0x11460] =	vst v1  }
0xa8: {  	v1 =	vld [tilespmem:s10+$0x5030]  }
0xa9: {  	v2 =	vld [tilespmem:s10+$0x9E50];
	_ =	sdelay $0x6  }
0xaa: {  	v1 =	vld.idx.msk [tilespmem:v1+s4+$0x0], $0xffff  }
0xab: {  	v2 =	vld.idx.msk [tilespmem:v2+s22+$0x0], $0xffff;
	_ =	sdelay $0x4  }
0xac: {  	v1 =	vadd.f32 v2, v1;
	_ =	sdelay $0x1  }
0xad: {  	v2 =	vmul.f32 $2.000000030e-01, v1;
	_ =	sdelay $0x1  }
0xae: {  	v1 =	vmax.f32 v1, v2  }
0xaf: {  	v1 =	vmul.f32 $1.442695020e+00, v1;
	_ =	sdelay $0x1  }
0xb0: {  	(erf) = vpow2.f32 v1;
	_ =	sdelay $0x8  }
0xb1: {  	v1 =	vpop (erf)  }
0xb2: {  	[tilespmem:$0x11470] =	vst v1  }
0xb3: {  	v1 =	vld [tilespmem:s10+$0x5040]  }
0xb4: {  	v2 =	vld [tilespmem:s10+$0x9E60];
	_ =	sdelay $0x6  }
0xb5: {  	v1 =	vld.idx.msk [tilespmem:v1+s4+$0x0], $0xffff  }
0xb6: {  	v2 =	vld.idx.msk [tilespmem:v2+s22+$0x0], $0xffff;
	_ =	sdelay $0x4  }
0xb7: {  	v1 =	vadd.f32 v2, v1;
	_ =	sdelay $0x1  }
0xb8: {  	v2 =	vmul.f32 $2.000000030e-01, v1;
	_ =	sdelay $0x1  }
0xb9: {  	v1 =	vmax.f32 v1, v2  }
0xba: {  	v1 =	vmul.f32 $1.442695020e+00, v1;
	_ =	sdelay $0x1  }
0xbb: {  	(erf) = vpow2.f32 v1;
	_ =	sdelay $0x7  }
0xbc: {  	s13 =	sshll.u32 s7, $0x1  }
0xbd: {  	p2 =	seq.s32 s7, $0x0;
	s8 =	sor.u32 $0x1, s13;
	v1 =	vpop (erf)  }
0xbe: {  	s11 =	simm.s32 @!p2 $0x4;
	s12 =	smul.u32 $0x140, s8;
	[tilespmem:$0x11480] =	vst v1  }
0xbf: {  	_ =	swait.ge @!p2 [sflag:s11], $0x1400  }
0xc0: {  	s12 =	sshra.s32 s12, $0x2;
	[sflag:s11] =	ssyncset.done @!p2 $0x0  }
0xc1: {  	s14 =	sadd.s32 $0x5000, s12;
	[sflag:s11] =	ssyncadd.s32 @!p2 $0xFFFFEC00  }
0xc2: {  	[tilespmem:s30], [sflag:$0x2] =	stream.indirect.gather [hbm4b:s18+s29], $0x40, s14, s29, $0xb8;
	[tilespmem:$0x1B9E0] =	vst v63  }
0xc3: {  	v1 =	vmov s6;
	_ =	swait.ge [sflag:s31], $0x1400  }
0xc4: {  	[sflag:s31] =	ssyncset.done $0x0  }
0xc5: {  	s11 =	simm.s32 $0xEC60;
	[sflag:s31] =	ssyncadd.s32 $0xFFFFEC00  }
0xc6: {  	v3 =	vld [tilespmem:s11+$0xFFFFFFF0]  }
0xc7: {  	v4 =	vld [tilespmem:s11+$0x10]  }
0xc8: {  	v6 =	vld.idx.msk [tilespmem:v1+s0+$0x0], $0xffff  }
0xc9: {  	v1 =	vld [tilespmem:s11+$0xFFFFFFE0]  }
0xca: {  	v7 =	vld [tilespmem:s11+$0x0];
	_ =	sdelay $0x3  }
0xcb: {  	s13 =	simm.s32 $0x1;
	v2 =	vmul.f32 v1, v6;
	v5 =	vmul.f32 v4, v6  }
0xcc: {  	s12 =	simm.s32 $0x2;
	s10 =	sadd.s32 $0x9E20, s10;
	v1 =	vmov s13;
	v4 =	vmul.f32 v3, v6;
	v3 =	vmul.f32 v7, v6;
	s13 =	simm.s32 $0xEC60  }
.LBB2_5:
0xcd: {  	p2 =	sne.s32 s12, $0x4F  }
0xce: {  	[tilespmem:s11+$0x10] =	vst v5;
	s13 =	sadd.s32 $0x40, s13;
	s14 =	smov.u32 s12;
	s12 =	sadd.s32 $0x1, s12  }
0xcf: {  	[tilespmem:s11+$0xFFFFFFE0] =	vst v2  }
0xd0: {  	v6 =	vld [tilespmem:s13+$0xFFFFFFF0];
	[tilespmem:s11+$0xFFFFFFF0] =	vst v4  }
0xd1: {  	v4 =	vld [tilespmem:s13+$0x10];
	[tilespmem:s11+$0x0] =	vst v3;
	s11 =	smov.u32 s13  }
0xd2: {  	v3 =	vld.idx.msk [tilespmem:v1+s0+$0x0], $0xffff  }
0xd3: {  	v1 =	vld [tilespmem:s13+$0xFFFFFFE0]  }
0xd4: {  	v7 =	vld [tilespmem:s13+$0x0]  }
.Ltmp1:
0xd5: {  	(pc) =	sbr.rel @p2 .LBB2_5-.Ltmp1, $3  }
0xd6: {  	_ =	sdelay $0x1  }
0xd7: {  	v5 =	vmul.f32 v4, v3;
	v2 =	vmul.f32 v1, v3  }
0xd8: {  	v4 =	vmul.f32 v6, v3;
	v1 =	vmov s14;
	v3 =	vmul.f32 v7, v3  }
0xd9: {  	[tilespmem:s11+$0x10] =	vst v5  }
0xda: {  	s12 =	sadd.s32 $0x40, s13;
	[tilespmem:s11+$0xFFFFFFE0] =	vst v2  }
0xdb: {  	v2 =	vld [tilespmem:s12+$0xFFFFFFF0];
	[tilespmem:s11+$0xFFFFFFF0] =	vst v4  }
0xdc: {  	v4 =	vld [tilespmem:s12+$0x10];
	[tilespmem:s11+$0x0] =	vst v3  }
0xdd: {  	v1 =	vld.idx.msk [tilespmem:v1+s0+$0x0], $0xffff  }
0xde: {  	v3 =	vld [tilespmem:s12+$0xFFFFFFE0];
	_ =	sdelay $0x1  }
0xdf: {  	v5 =	vld [tilespmem:s12+$0x0];
	_ =	sdelay $0x1  }
0xe0: {  	v4 =	vmul.f32 v4, v1  }
0xe1: {  	v3 =	vmul.f32 v3, v1  }
0xe2: {  	v2 =	vmul.f32 v2, v1;
	[tilespmem:s12+$0x10] =	vst v4  }
0xe3: {  	v1 =	vmul.f32 v5, v1;
	[tilespmem:s12+$0xFFFFFFE0] =	vst v3  }
0xe4: {  	[tilespmem:s12+$0xFFFFFFF0] =	vst v2  }
0xe5: {  	[tilespmem:s12+$0x0] =	vst v1  }
0xe6: {  	[spmem:s1] =	stream.indirect.scatter.add.f32 [tilespmem:s26], [sflag:$0x3], $0x40, s10, s29, $0xb8;
	[tilespmem:$0x1B9E0] =	vst v63  }
0xe7: {  	s11 =	simm.s32 @!p0 $0x50;
	s12 =	simm.s32 @!p0 $0x11440  }
0xe8: {  	[spmem:s3] =	stream.indirect.scatter.add.f32 @!p0 [tilespmem:s12], [sflag:$0x5], $0x1, s10, s11, $0xb8;
	[tilespmem:$0x1B9E0] =	vst v63  }
0xe9: {  	s10 =	simm.s32 @!p1 $0x6  }
0xea: {  	_ =	swait.ge @!p1 [sflag:s10], $0x50  }
0xeb: {  	s8 =	smul.u32 $0x50, s8;
	[sflag:s10] =	ssyncset.done @!p1 $0x0  }
0xec: {  	[sflag:s10] =	ssyncadd.s32 @!p1 $0xFFFFFFB0  }
0xed: {  	v1 =	vld [tilespmem:s8+$0x5000]  }
0xee: {  	v2 =	vld [tilespmem:s8+$0x9E20];
	_ =	sdelay $0x6  }
0xef: {  	v1 =	vld.idx.msk [tilespmem:v1+s4+$0x0], $0xffff  }
0xf0: {  	v2 =	vld.idx.msk [tilespmem:v2+s22+$0x0], $0xffff;
	_ =	sdelay $0x4  }
0xf1: {  	v1 =	vadd.f32 v2, v1;
	_ =	sdelay $0x1  }
0xf2: {  	v2 =	vmul.f32 $2.000000030e-01, v1;
	_ =	sdelay $0x1  }
0xf3: {  	v1 =	vmax.f32 v1, v2  }
0xf4: {  	v1 =	vmul.f32 $1.442695020e+00, v1;
	_ =	sdelay $0x1  }
0xf5: {  	(erf) = vpow2.f32 v1;
	_ =	sdelay $0x8  }
0xf6: {  	v1 =	vpop (erf)  }
0xf7: {  	[tilespmem:$0x11490] =	vst v1  }
0xf8: {  	v1 =	vld [tilespmem:s8+$0x5010]  }
0xf9: {  	v2 =	vld [tilespmem:s8+$0x9E30];
	_ =	sdelay $0x6  }
0xfa: {  	v1 =	vld.idx.msk [tilespmem:v1+s4+$0x0], $0xffff  }
0xfb: {  	v2 =	vld.idx.msk [tilespmem:v2+s22+$0x0], $0xffff;
	_ =	sdelay $0x4  }
0xfc: {  	v1 =	vadd.f32 v2, v1;
	_ =	sdelay $0x1  }
0xfd: {  	v2 =	vmul.f32 $2.000000030e-01, v1;
	_ =	sdelay $0x1  }
0xfe: {  	v1 =	vmax.f32 v1, v2  }
0xff: {  	v1 =	vmul.f32 $1.442695020e+00, v1;
	_ =	sdelay $0x1  }
0x100: {  	(erf) = vpow2.f32 v1;
	_ =	sdelay $0x8  }
0x101: {  	v1 =	vpop (erf)  }
0x102: {  	[tilespmem:$0x114A0] =	vst v1  }
0x103: {  	v1 =	vld [tilespmem:s8+$0x5020]  }
0x104: {  	v2 =	vld [tilespmem:s8+$0x9E40];
	_ =	sdelay $0x6  }
0x105: {  	v1 =	vld.idx.msk [tilespmem:v1+s4+$0x0], $0xffff  }
0x106: {  	v2 =	vld.idx.msk [tilespmem:v2+s22+$0x0], $0xffff;
	_ =	sdelay $0x4  }
0x107: {  	v1 =	vadd.f32 v2, v1;
	_ =	sdelay $0x1  }
0x108: {  	v2 =	vmul.f32 $2.000000030e-01, v1;
	_ =	sdelay $0x1  }
0x109: {  	v1 =	vmax.f32 v1, v2  }
0x10a: {  	v1 =	vmul.f32 $1.442695020e+00, v1;
	_ =	sdelay $0x1  }
0x10b: {  	(erf) = vpow2.f32 v1;
	_ =	sdelay $0x8  }
0x10c: {  	v1 =	vpop (erf)  }
0x10d: {  	[tilespmem:$0x114B0] =	vst v1  }
0x10e: {  	v1 =	vld [tilespmem:s8+$0x5030]  }
0x10f: {  	v2 =	vld [tilespmem:s8+$0x9E50];
	_ =	sdelay $0x6  }
0x110: {  	v1 =	vld.idx.msk [tilespmem:v1+s4+$0x0], $0xffff  }
0x111: {  	v2 =	vld.idx.msk [tilespmem:v2+s22+$0x0], $0xffff;
	_ =	sdelay $0x4  }
0x112: {  	v1 =	vadd.f32 v2, v1;
	_ =	sdelay $0x1  }
0x113: {  	v2 =	vmul.f32 $2.000000030e-01, v1;
	_ =	sdelay $0x1  }
0x114: {  	v1 =	vmax.f32 v1, v2  }
0x115: {  	v1 =	vmul.f32 $1.442695020e+00, v1;
	_ =	sdelay $0x1  }
0x116: {  	(erf) = vpow2.f32 v1;
	_ =	sdelay $0x8  }
0x117: {  	v1 =	vpop (erf)  }
0x118: {  	[tilespmem:$0x114C0] =	vst v1  }
0x119: {  	v1 =	vld [tilespmem:s8+$0x5040]  }
0x11a: {  	v2 =	vld [tilespmem:s8+$0x9E60];
	_ =	sdelay $0x6  }
0x11b: {  	v1 =	vld.idx.msk [tilespmem:v1+s4+$0x0], $0xffff  }
0x11c: {  	v2 =	vld.idx.msk [tilespmem:v2+s22+$0x0], $0xffff;
	_ =	sdelay $0x4  }
0x11d: {  	v1 =	vadd.f32 v2, v1;
	_ =	sdelay $0x1  }
0x11e: {  	v2 =	vmul.f32 $2.000000030e-01, v1;
	_ =	sdelay $0x1  }
0x11f: {  	v1 =	vmax.f32 v1, v2  }
0x120: {  	v1 =	vmul.f32 $1.442695020e+00, v1;
	_ =	sdelay $0x1  }
0x121: {  	(erf) = vpow2.f32 v1;
	_ =	sdelay $0x8  }
0x122: {  	p1 =	seq.s32 s7, $0x7C;
	v1 =	vpop (erf)  }
0x123: {  	s10 =	simm.s32 @!p1 $0x3;
	[tilespmem:$0x114D0] =	vst v1  }
0x124: {  	s11 =	smul.u32 @!p1 $0x280, s7;
	_ =	swait.ge @!p1 [sflag:s10], $0x1400  }
0x125: {  	[sflag:s10] =	ssyncset.done @!p1 $0x0  }
0x126: {  	s13 =	simm.s32 $0x0;
	[sflag:s10] =	ssyncadd.s32 @!p1 $0xFFFFEC00;
	s10 =	sshra.s32 @!p1 s11, $0x2  }
0x127: {  	s12 =	simm.s32 @!p1 $0xEC40;
	s11 =	simm.s32 @!p1 $0x50;
	s10 =	sadd.s32 @!p1 $0x50A0, s10  }
0x128: {  	[tilespmem:s12], [sflag:$0x1] =	stream.indirect.gather @!p1 [hbm4b:s18+s11], $0x40, s10, s11, $0xb8;
	[tilespmem:$0x1B9E0] =	vst v63  }
0x129: {  	v1 =	vmov s13;
	_ =	swait.ge [sflag:s25], $0x1400  }
0x12a: {  	[sflag:s25] =	ssyncset.done $0x0  }
0x12b: {  	s10 =	simm.s32 $0x10060;
	[sflag:s25] =	ssyncadd.s32 $0xFFFFEC00  }
0x12c: {  	v3 =	vld [tilespmem:s10+$0xFFFFFFF0]  }
0x12d: {  	v4 =	vld [tilespmem:s10+$0x10]  }
0x12e: {  	v6 =	vld.idx.msk [tilespmem:v1+s28+$0x0], $0xffff  }
0x12f: {  	v1 =	vld [tilespmem:s10+$0xFFFFFFE0]  }
0x130: {  	v7 =	vld [tilespmem:s10+$0x0];
	_ =	sdelay $0x3  }
0x131: {  	s14 =	simm.s32 $0x1;
	v2 =	vmul.f32 v1, v6;
	v5 =	vmul.f32 v4, v6  }
0x132: {  	s8 =	sadd.s32 $0x9E20, s8;
	s11 =	simm.s32 $0x2;
	s12 =	simm.s32 $0x10060;
	v1 =	vmov s14;
	v4 =	vmul.f32 v3, v6;
	v3 =	vmul.f32 v7, v6  }
.LBB2_7:
0x133: {  	p1 =	sne.s32 s11, $0x4F  }
0x134: {  	[tilespmem:s10+$0x10] =	vst v5;
	s12 =	sadd.s32 $0x40, s12;
	s13 =	smov.u32 s11;
	s11 =	sadd.s32 $0x1, s11  }
0x135: {  	[tilespmem:s10+$0xFFFFFFE0] =	vst v2  }
0x136: {  	v6 =	vld [tilespmem:s12+$0xFFFFFFF0];
	[tilespmem:s10+$0xFFFFFFF0] =	vst v4  }
0x137: {  	v4 =	vld [tilespmem:s12+$0x10];
	[tilespmem:s10+$0x0] =	vst v3;
	s10 =	smov.u32 s12  }
0x138: {  	v3 =	vld.idx.msk [tilespmem:v1+s28+$0x0], $0xffff  }
0x139: {  	v1 =	vld [tilespmem:s12+$0xFFFFFFE0]  }
0x13a: {  	v7 =	vld [tilespmem:s12+$0x0]  }
.Ltmp2:
0x13b: {  	(pc) =	sbr.rel @p1 .LBB2_7-.Ltmp2, $3  }
0x13c: {  	_ =	sdelay $0x1  }
0x13d: {  	v5 =	vmul.f32 v4, v3;
	v2 =	vmul.f32 v1, v3  }
0x13e: {  	v4 =	vmul.f32 v6, v3;
	v1 =	vmov s13;
	v3 =	vmul.f32 v7, v3  }
0x13f: {  	[tilespmem:s10+$0x10] =	vst v5  }
0x140: {  	s11 =	sadd.s32 $0x40, s12;
	[tilespmem:s10+$0xFFFFFFE0] =	vst v2  }
0x141: {  	v2 =	vld [tilespmem:s11+$0xFFFFFFF0];
	[tilespmem:s10+$0xFFFFFFF0] =	vst v4  }
0x142: {  	v4 =	vld [tilespmem:s11+$0x10];
	[tilespmem:s10+$0x0] =	vst v3  }
0x143: {  	v1 =	vld.idx.msk [tilespmem:v1+s28+$0x0], $0xffff  }
0x144: {  	v3 =	vld [tilespmem:s11+$0xFFFFFFE0];
	_ =	sdelay $0x1  }
0x145: {  	v5 =	vld [tilespmem:s11+$0x0];
	_ =	sdelay $0x1  }
0x146: {  	v4 =	vmul.f32 v4, v1  }
0x147: {  	v3 =	vmul.f32 v3, v1  }
0x148: {  	s7 =	sadd.s32 $0x1, s7;
	v2 =	vmul.f32 v2, v1;
	[tilespmem:s11+$0x10] =	vst v4  }
0x149: {  	p1 =	sne.s32 s7, $0x7D;
	v1 =	vmul.f32 v5, v1;
	[tilespmem:s11+$0xFFFFFFE0] =	vst v3  }
.Ltmp3:
0x14a: {  	[tilespmem:s11+$0xFFFFFFF0] =	vst v2;
	(pc) =	sbr.rel @p1 .LBB2_4-.Ltmp3, $4  }
0x14b: {  	[tilespmem:s11+$0x0] =	vst v1  }
0x14c: {  	[spmem:s1] =	stream.indirect.scatter.add.f32 [tilespmem:s30], [sflag:$0x4], $0x40, s8, s29, $0xb8;
	[tilespmem:$0x1B9E0] =	vst v63  }
0x14d: {  	s10 =	simm.s32 @!p0 $0x50;
	s11 =	simm.s32 @!p0 $0x11490  }
0x14e: {  	[spmem:s3] =	stream.indirect.scatter.add.f32 @!p0 [tilespmem:s11], [sflag:$0x6], $0x1, s8, s10, $0xb8;
	[tilespmem:$0x1B9E0] =	vst v63  }
0x14f: {  	_ =	swait.ge [sflag:s2], $0x1400  }
0x150: {  	[sflag:s2] =	ssyncset.done $0x0  }
0x151: {  	s6 =	simm.s32 @p0 $0x4;
	[sflag:s2] =	ssyncadd.s32 $0xFFFFEC00  }
0x152: {  	_ =	swait.ge @p0 [sflag:s6], $0x1400  }
0x153: {  	[sflag:s6] =	ssyncset.done @p0 $0x0  }
0x154: {  	[sflag:s6] =	ssyncadd.s32 @p0 $0xFFFFEC00;
	s6 =	simm.s32 @!p0 $0x5  }
0x155: {  	_ =	swait.ge @!p0 [sflag:s6], $0x50  }
0x156: {  	[sflag:s6] =	ssyncset.done @!p0 $0x0  }
0x157: {  	[sflag:s6] =	ssyncadd.s32 @!p0 $0xFFFFFFB0;
	s6 =	simm.s32 @!p0 $0x4  }
0x158: {  	_ =	swait.ge @!p0 [sflag:s6], $0x1400  }
0x159: {  	[sflag:s6] =	ssyncset.done @!p0 $0x0  }
0x15a: {  	[sflag:s6] =	ssyncadd.s32 @!p0 $0xFFFFEC00;
	s6 =	simm.s32 @!p0 $0x6  }
0x15b: {  	_ =	swait.ge @!p0 [sflag:s6], $0x50  }
0x15c: {  	s14 =	stileid.u32;
	[sflag:s6] =	ssyncset.done @!p0 $0x0  }
0x15d: {  	[sflag:s6] =	ssyncadd.s32 @!p0 $0xFFFFFFB0;
	s6 =	sshll.u32 s14, $0x6  }
0x15e: {  	s7 =	sshrl.u32 s9, $0x3;
	[bflag:$0x0] =	sbarrier.arrive $0xFFFF;
	s6 =	sor.u32 $0x1C07, s6  }
0x15f: {  	[hbm:s24], [sflag:s6] =	dma.local [spmem:s7], $0x1400  }
0x160: {  	_ =	swait.ge [sflag:s21], $0x1400  }
0x161: {  	s5 =	sadd.s32 $0x1, s5;
	[sflag:s21] =	ssyncset.done $0x0  }
0x162: {  	p1 =	sne.s32 s5, s20;
	s7 =	sshrl.u32 @!p0 s17, $0x3;
	[sflag:s21] =	ssyncadd.s32 $0xFFFFEC00  }
0x163: {  	[hbm:s19], [sflag:s6] =	dma.local @!p0 [spmem:s7], $0x50  }
.Ltmp4:
0x164: {  	_ = 	snop;
	(pc) =	sbr.rel @p1 .LBB2_1-.Ltmp4, $4  }
0x165: {  	s6 =	simm.s32 @!p0 $0x7  }
0x166: {  	_ =	swait.ge @!p0 [sflag:s6], $0x50  }
0x167: {  	[sflag:s6] =	ssyncset.done @!p0 $0x0  }
0x168: {  	[sflag:s6] =	ssyncadd.s32 @!p0 $0xFFFFFFB0  }
0x169: {  	_ =	sfence.sel $0x180000  }
0x16a: {  	[bflag:$0x0] =	sbarrier.arrive $0xFFFF  }
0x16b: {  	_ =	strace $0x90000047  }
0x16c: {  	s0 =	stileid.u32;
	[bflag:$0x2] =	sbarrier.arrive $0xFFFF  }
0x16d: {  	p0 =	sne.s32 s0, $0x0;
	s0 =	rddreg [dreg:$0x4]  }
0x16e: {  	s0 =	sadd.s32 @!p0 $0x100000, s0  }
0x16f: {  	[sflag:s0] =	ssyncadd.tile.s32 @!p0 $0x1;
	_ =	shalt  }
.Lfunc_end2:
_tile_overlayer_lowered:
.L_overlay_start_2:
0x170: {  	(tag) =	ssettag $0x2  }
0x171: {  	s0 =	rddreg [dreg:$0x0];
	s2 =	stileid.u32  }
0x172: {  	s1 =	rddreg [dreg:$0x1];
	p0 =	sne.s32 s2, $0x0  }
0x173: {  	s3 =	rddreg [dreg:$0x2];
	[bflag:$0x3] =	sbarrier.arrive $0xFFFF;
	s2 =	simm.s32 @!p0 $0x1C07  }
0x174: {  	[timem:s3], [sflag:s2] =	dma.local @!p0 [hbm:s0], s1  }
0x175: {  	s0 =	simm.s32 @!p0 $0x7  }
0x176: {  	_ =	swait.ge @!p0 [sflag:s0], s1  }
0x177: {  	s1 =	ssub.s32 @!p0 $0x0, s1;
	[sflag:s0] =	ssyncset.done @!p0 $0x0  }
0x178: {  	[sflag:s0] =	ssyncadd.s32 @!p0 s1  }
0x179: {  	[bflag:$0x3] =	sbarrier.arrive $0xFFFF  }
0x17a: {  	_ =	shalt  }

</sc_bundles>
